<compile_context>
chip_gen: v7x
topology: tpu7x:2x2x1
jax: 0.10.2.dev20260603
libtpu: 0.0.44.dev20260713+nightly
codegen_flags: <defaults>
</compile_context>

<pallas_src>
import jax
import jax.numpy as jnp
from jax import lax
from jax.experimental import pallas as pl
from jax.experimental.pallas import tpu as pltpu
from jax.experimental.pallas import tpu_sc as plsc

B = 1024
D = 128
C = 256
CAP = 64
TAUC = 1.0
CK = 32
NCHUNK = C // CK
W = CK * CAP

_f32 = jnp.float32
_bf16 = jnp.bfloat16


PAD = 16
NW = 16
BW = B // NW


def _route_kernel(cls_hbm, counts_out, ranks_out, stage_hbm,
                  cls_v, cnt_v, rk_v, allt_v, pref_v):
    cid = lax.axis_index("c")
    sid = lax.axis_index("s")

    @pl.when(cid == 0)
    def _():
        base = sid * BW
        pltpu.sync_copy(cls_hbm.at[pl.ds(base, BW)], cls_v.at[pl.ds(0, BW)])
        lane0 = lax.iota(jnp.int32, 16) == 0
        for v in range((C + PAD) // 16):
            cnt_v[pl.ds(v * 16, 16)] = jnp.zeros((16,), jnp.int32)

        def body(j, carry):
            cj = cls_v[pl.ds(j, 16)][0]
            cvec = cnt_v[pl.ds(cj, 16)]
            rj = cvec[0]
            rvec = rk_v[pl.ds(j, 16)]
            rk_v[pl.ds(j, 16)] = jnp.where(lane0, rj, rvec)
            cnt_v[pl.ds(cj, 16)] = jnp.where(lane0, rj + 1, cvec)
            return carry

        lax.fori_loop(0, BW, body, 0)
        pltpu.sync_copy(cnt_v.at[pl.ds(0, C)], stage_hbm.at[pl.ds(sid * C, C)])
        plsc.subcore_barrier()
        pltpu.sync_copy(stage_hbm, allt_v)
        for v in range(C // 16):
            pref_v[pl.ds(v * 16, 16)] = jnp.zeros((16,), jnp.int32)

        def merge(w, carry):
            @pl.when(w < sid)
            def _():
                for v in range(C // 16):
                    pref_v[pl.ds(v * 16, 16)] = (
                        pref_v[pl.ds(v * 16, 16)]
                        + allt_v[pl.ds(w * C + v * 16, 16)])
            return carry

        lax.fori_loop(0, NW, merge, 0)
        def addoff(j, carry):
            cj = cls_v[pl.ds(j, 16)][0]
            off = pref_v[pl.ds(cj, 16)][0]
            rvec = rk_v[pl.ds(j, 16)]
            rk_v[pl.ds(j, 16)] = jnp.where(lane0, rvec[0] + off, rvec)
            return carry

        lax.fori_loop(0, BW, addoff, 0)
        pltpu.sync_copy(rk_v.at[pl.ds(0, BW)], ranks_out.at[pl.ds(base, BW)])

        @pl.when(sid == NW - 1)
        def _():
            for v in range(C // 16):
                pref_v[pl.ds(v * 16, 16)] = (
                    pref_v[pl.ds(v * 16, 16)] + cnt_v[pl.ds(v * 16, 16)])
            pltpu.sync_copy(pref_v.at[pl.ds(0, C)], counts_out)


def _route(classes):
    k = pl.kernel(
        _route_kernel,
        mesh=plsc.VectorSubcoreMesh(core_axis_name="c", subcore_axis_name="s"),
        out_type=[jax.ShapeDtypeStruct((C,), jnp.int32),
                  jax.ShapeDtypeStruct((B,), jnp.int32),
                  jax.ShapeDtypeStruct((NW * C,), jnp.int32)],
        scratch_types=[pltpu.VMEM((BW + PAD,), jnp.int32),
                       pltpu.VMEM((C + PAD,), jnp.int32),
                       pltpu.VMEM((BW + PAD,), jnp.int32),
                       pltpu.VMEM((NW * C,), jnp.int32),
                       pltpu.VMEM((C + PAD,), jnp.int32)],
    )
    counts, ranks, _ = k(classes)
    return counts, ranks


def _loss_kernel(x_ref, xb_ref, mem_ref, clsc_ref, cnt_ref, rk_ref, out_ref):
    x = x_ref[:, :]
    xb = xb_ref[:, :]
    cls_col = clsc_ref[:, :]
    counts_row = cnt_ref[:, :]
    r_col = rk_ref[:, :]

    nrm = jnp.sqrt(jnp.sum(x * x, axis=1, keepdims=True))
    feat = (x / jnp.maximum(nrm, 1e-12)).astype(_bf16)

    cls_iota = jax.lax.broadcasted_iota(jnp.int32, (B, C), 1)
    onehotb = (cls_col == cls_iota).astype(_bf16)
    onehotf = onehotb.astype(_f32)
    incl_col = (r_col < CAP).astype(_bf16)

    cm4_col = cls_col - (cls_col // 4) * 4
    bidx_g = jnp.where(r_col < CAP, cm4_col * CAP + r_col, C)
    gw = ((bidx_g == jax.lax.broadcasted_iota(jnp.int32, (B, C), 1))
          .astype(_bf16))
    qw = onehotb * incl_col

    G = jax.lax.dot_general(feat, xb, (((1,), (1,)), ((), ())),
                            preferred_element_type=_f32)
    Gb = G.astype(_bf16)
    eG = jnp.exp(Gb)
    TG = jax.lax.dot_general(eG, incl_col, (((1,), (0,)), ((), ())),
                             preferred_element_type=_f32)
    GEX = jax.lax.dot_general(eG, gw, (((1,), (0,)), ((), ())),
                              preferred_element_type=_f32)
    POSG = jax.lax.dot_general(Gb, qw, (((1,), (0,)), ((), ())),
                               preferred_element_type=_f32)

    colw = jax.lax.broadcasted_iota(jnp.int32, (W, 1), 0)
    lcls_w = colw // CAP
    t_w = colw - lcls_w * CAP
    gm4_w = lcls_w - (lcls_w // 4) * 4
    oc = (jax.lax.broadcasted_iota(jnp.int32, (W, CK), 0) // CAP ==
          jax.lax.broadcasted_iota(jnp.int32, (W, CK), 1))
    ocb = oc.astype(_bf16)
    ocf = oc.astype(_f32)
    kiota = jax.lax.broadcasted_iota(jnp.int32, (W, C), 1)

    T = TG
    EX = GEX
    posacc = jnp.sum(POSG * onehotf, axis=1, keepdims=True)

    for k in range(NCHUNK):
        mb = mem_ref[pl.ds(k * W, W), :]
        Mc = jax.lax.dot_general(feat, mb, (((1,), (1,)), ((), ())),
                                 preferred_element_type=_f32).astype(_bf16)
        eM = jnp.exp(Mc)

        countsc = counts_row[:, k * CK:(k + 1) * CK]
        ccol_w = jax.lax.dot_general(ocf, countsc,
                                     (((1,), (1,)), ((), ())),
                                     preferred_element_type=_f32)
        tpc_w = t_w + ccol_w.astype(jnp.int32)
        keep_w = (tpc_w < CAP).astype(_bf16)
        bidx_w = jnp.where(tpc_w < CAP, gm4_w * CAP + tpc_w, C)
        exw = (bidx_w == kiota).astype(_bf16)
        kwc = ocb * keep_w

        T = T + jax.lax.dot_general(eM, keep_w, (((1,), (0,)), ((), ())),
                                    preferred_element_type=_f32)
        EX = EX + jax.lax.dot_general(eM, exw, (((1,), (0,)), ((), ())),
                                      preferred_element_type=_f32)
        posc = jax.lax.dot_general(Mc, kwc, (((1,), (0,)), ((), ())),
                                   preferred_element_type=_f32)
        posacc = posacc + jnp.sum(
            posc * onehotf[:, k * CK:(k + 1) * CK], axis=1, keepdims=True)

    ex_i = jnp.sum(EX * onehotf, axis=1, keepdims=True)
    pos = posacc * (1.0 / CAP)
    Tn = T - ex_i
    denom = jnp.exp(pos) + Tn
    lossv = jnp.log(denom) - pos
    out_ref[:, :] = jnp.reshape(jnp.sum(lossv) * (1.0 / B), (1, 1))


def kernel(x, memory, classes):
    counts_i, ranks_i = _route(classes)
    counts_row = counts_i.astype(jnp.float32).reshape(1, C)
    r2d = ranks_i.reshape(B, 1)
    mem_flat = memory.reshape(C * CAP, D).astype(_bf16)
    xbf = x.astype(_bf16)
    cls2d = classes.reshape(B, 1)
    out = pl.pallas_call(
        _loss_kernel,
        out_shape=jax.ShapeDtypeStruct((1, 1), jnp.float32),
    )(x, xbf, mem_flat, cls2d, counts_row, r2d)
    return out[0, 0]

# --- scband reference (transcript-rebuilt; emitter-appended) ---
"""Pipeline reference for scband-memory-bank-func-59914793779464 (READ-ONLY COPY).

The authoritative reference and input builder live on the scoring server;
editing this copy changes nothing except your own understanding.
"""

import jax, jax.numpy as jnp
import numpy as np

NUM_CLASSES = 256
CAP = 64
DIM = 128
TAU = 1.0
BATCH = 1024


def setup_inputs(seed: int = 0) -> dict:
    key = jax.random.key(seed)
    k1, k2, k3 = jax.random.split(key, 3)
    x = jax.random.normal(k1, (BATCH, DIM), dtype=jnp.float32)
    classes = jax.random.randint(k2, (BATCH,), 0, NUM_CLASSES, dtype=jnp.int32)
    memory = jax.random.normal(k3, (NUM_CLASSES, CAP, DIM), dtype=jnp.float32)
    return {"x": x, "memory": memory, "classes": classes}


def _update(memory, instances, classes):
    # faithful port of memory_bank_func.update (no_grad scatter-overwrite)
    num_classes, cap = memory.shape[0], memory.shape[1]
    batch = instances.shape[0]
    pos = jnp.arange(batch)
    slot = jnp.arange(cap)

    def body(cls, mem):
        mask = classes == cls
        key = jnp.where(mask, pos, batch)
        order = jnp.argsort(key)[:cap]
        gathered = instances[order]
        c = jnp.sum(mask)
        old = mem[cls][jnp.maximum(slot - c, 0)]
        row = jnp.where((slot < c)[:, None], gathered, old)
        return mem.at[cls].set(row)

    return jax.lax.fori_loop(0, num_classes, body, memory)


def _normalize(v, eps=1e-12):
    n = jnp.linalg.norm(v, ord=2, axis=-1, keepdims=True)
    return v / jnp.clip(n, eps)


def _call_loss(feat, memory, labels, tau):
    num_classes, cap = memory.shape[0], memory.shape[1]
    centroids = memory.mean(axis=1)
    feat = _normalize(feat)
    b = feat.shape[0]
    index = jnp.arange(b)
    positive_logits = (feat @ centroids.T / tau)[index, labels]
    mask = jnp.ones((b, cap, num_classes), dtype=bool)
    mask = mask.at[index, :, labels].set(False)
    mask_flat = mask.reshape(b, -1)
    total = cap * num_classes
    n_keep = total - cap
    keys = jnp.where(mask_flat, jnp.arange(total)[None, :], total)
    cols = jnp.argsort(keys, axis=1)[:, :n_keep]
    negative_logits = feat @ memory.reshape(-1, memory.shape[-1]).T / tau
    negative_logits = jnp.take_along_axis(negative_logits, cols, axis=1)
    final_logits = jnp.concatenate([positive_logits[:, None], negative_logits], axis=1)
    # cross_entropy with all-zero targets, mean reduction
    logp = jax.nn.log_softmax(final_logits, axis=1)
    return -logp[:, 0].mean()


def reference(x, memory, classes):
    mem = _update(memory, x, classes)
    return _call_loss(x, mem, classes, TAU)

if __name__ == "__main__":
    import jax
    _d = setup_inputs()
    print(jax.jit(kernel)(*tuple(_d.values())))

</pallas_src>

<mosaic_0001>
#map = affine_map<(d0, d1) -> (0)>
module attributes {stable_mosaic.version = 14 : i64} {
  func.func @_route_kernel(%arg0: i32, %arg1: i32, %arg2: memref<1024xi32, #tpu.memory_space<hbm>>, %arg3: memref<256xi32, #tpu.memory_space<hbm>>, %arg4: memref<1024xi32, #tpu.memory_space<hbm>>, %arg5: memref<4096xi32, #tpu.memory_space<hbm>>, %arg6: memref<80xi32, #tpu.memory_space<vmem>>, %arg7: memref<272xi32, #tpu.memory_space<vmem>>, %arg8: memref<80xi32, #tpu.memory_space<vmem>>, %arg9: memref<4096xi32, #tpu.memory_space<vmem>>, %arg10: memref<272xi32, #tpu.memory_space<vmem>>) attributes {dimension_semantics = [#tpu.dimension_semantics<core_parallel>, #tpu.dimension_semantics<subcore_parallel>], iteration_bounds = array<i64: 2, 16>, scalar_prefetch = 0 : i64, scratch_operands = 5 : i64, tpu.core_type = #tpu.core_type<sc_vector_subcore>, window_params = [{transform_indices = #map}, {transform_indices = #map}, {transform_indices = #map}, {transform_indices = #map}]} {
    %eq3A = arith.constant 0 : i32
    %eq3A_0 = arith.cmpi eq, %arg0, %eq3A : i32
    %convert_element_type3A = arith.extui %eq3A_0 : i1 to i32
    %cond3A = arith.constant 0 : i32
    %cond3A_1 = arith.cmpi ne, %convert_element_type3A, %cond3A : i32
    scf.if %cond3A_1 {
      %mul3A = arith.constant 64 : i32
      %mul3A_2 = arith.muli %arg1, %mul3A : i32
      "tpu.region"() ({
        %run_scoped3A = tpu.sem_alloc : memref<!tpu.dma_semaphore, #tpu.memory_space<semaphore_mem>>
        %dma_start3A = arith.constant 0 : i32
        %dma_start3A_226 = tpu.memref_slice %arg6[%dma_start3A] : memref<80xi32, #tpu.memory_space<vmem>> -> memref<64xi32, #tpu.memory_space<vmem>>
        %dma_start3A_227 = tpu.memref_slice %arg2[%mul3A_2] : memref<1024xi32, #tpu.memory_space<hbm>> -> memref<64xi32, #tpu.memory_space<hbm>>
        %dma_start3A_228 = arith.constant 0 : i32
        %dma_start3A_229 = tpu.memref_slice %arg6[%dma_start3A_228] : memref<80xi32, #tpu.memory_space<vmem>> -> memref<64xi32, #tpu.memory_space<vmem>>
        %dma_start3A_230 = tpu.memref_slice %arg2[%mul3A_2] : memref<1024xi32, #tpu.memory_space<hbm>> -> memref<64xi32, #tpu.memory_space<hbm>>
        tpu.enqueue_dma source(%dma_start3A_230 : memref<64xi32, #tpu.memory_space<hbm>>) target(%dma_start3A_229 : memref<64xi32, #tpu.memory_space<vmem>>) target_semaphore(%run_scoped3A : memref<!tpu.dma_semaphore, #tpu.memory_space<semaphore_mem>>)
        %dma_wait3A = arith.constant 0 : i32
        %dma_wait3A_231 = tpu.memref_slice %arg6[%dma_wait3A] : memref<80xi32, #tpu.memory_space<vmem>> -> memref<64xi32, #tpu.memory_space<vmem>>
        %dma_wait3A_232 = tpu.memref_slice %arg2[%mul3A_2] : memref<1024xi32, #tpu.memory_space<hbm>> -> memref<64xi32, #tpu.memory_space<hbm>>
        %dma_wait3A_233 = arith.constant 0 : i32
        %dma_wait3A_234 = tpu.memref_slice %arg6[%dma_wait3A_233] : memref<80xi32, #tpu.memory_space<vmem>> -> memref<64xi32, #tpu.memory_space<vmem>>
        %dma_wait3A_235 = tpu.memref_slice %arg2[%mul3A_2] : memref<1024xi32, #tpu.memory_space<hbm>> -> memref<64xi32, #tpu.memory_space<hbm>>
        tpu.wait_dma2 semaphore(%run_scoped3A : memref<!tpu.dma_semaphore, #tpu.memory_space<semaphore_mem>>) src(%dma_wait3A_235 : memref<64xi32, #tpu.memory_space<hbm>>) dst(%dma_wait3A_234 : memref<64xi32, #tpu.memory_space<vmem>>)
        tpu.yield
      }) : () -> ()
      %iota3A = tpu.iota {dimensions = array<i32: 0>} : vector<16xi32>
      %eq3A_3 = arith.constant 0 : i32
      %eq3A_4 = vector.broadcast %eq3A_3 : i32 to vector<16xi32>
      %eq3A_5 = arith.cmpi eq, %iota3A, %eq3A_4 : vector<16xi32>
      %broadcast_in_dim3A = arith.constant 0 : i32
      %broadcast_in_dim3A_6 = vector.broadcast %broadcast_in_dim3A : i32 to vector<16xi32>
      %swap3A = arith.constant 0 : index
      %swap3A_7 = tpu.vector_load %arg7[%swap3A] {strides = array<i32>} : memref<272xi32, #tpu.memory_space<vmem>>, vector<16xi32>,
      %swap3A_8 = vector.shape_cast %swap3A_7 : vector<16xi32> to vector<16xi32>
      %swap3A_9 = vector.shape_cast %broadcast_in_dim3A_6 : vector<16xi32> to vector<16xi32>
      tpu.vector_store %arg7[%swap3A], %swap3A_9 {strides = array<i32>} : memref<272xi32, #tpu.memory_space<vmem>>, vector<16xi32>,
      %broadcast_in_dim3A_10 = arith.constant 0 : i32
      %broadcast_in_dim3A_11 = vector.broadcast %broadcast_in_dim3A_10 : i32 to vector<16xi32>
      %swap3A_12 = arith.constant 16 : index
      %swap3A_13 = tpu.vector_load %arg7[%swap3A_12] {strides = array<i32>} : memref<272xi32, #tpu.memory_space<vmem>>, vector<16xi32>,
      %swap3A_14 = vector.shape_cast %swap3A_13 : vector<16xi32> to vector<16xi32>
      %swap3A_15 = vector.shape_cast %broadcast_in_dim3A_11 : vector<16xi32> to vector<16xi32>
      tpu.vector_store %arg7[%swap3A_12], %swap3A_15 {strides = array<i32>} : memref<272xi32, #tpu.memory_space<vmem>>, vector<16xi32>,
      %broadcast_in_dim3A_16 = arith.constant 0 : i32
      %broadcast_in_dim3A_17 = vector.broadcast %broadcast_in_dim3A_16 : i32 to vector<16xi32>
      %swap3A_18 = arith.constant 32 : index
      %swap3A_19 = tpu.vector_load %arg7[%swap3A_18] {strides = array<i32>} : memref<272xi32, #tpu.memory_space<vmem>>, vector<16xi32>,
      %swap3A_20 = vector.shape_cast %swap3A_19 : vector<16xi32> to vector<16xi32>
      %swap3A_21 = vector.shape_cast %broadcast_in_dim3A_17 : vector<16xi32> to vector<16xi32>
      tpu.vector_store %arg7[%swap3A_18], %swap3A_21 {strides = array<i32>} : memref<272xi32, #tpu.memory_space<vmem>>, vector<16xi32>,
      %broadcast_in_dim3A_22 = arith.constant 0 : i32
      %broadcast_in_dim3A_23 = vector.broadcast %broadcast_in_dim3A_22 : i32 to vector<16xi32>
      %swap3A_24 = arith.constant 48 : index
      %swap3A_25 = tpu.vector_load %arg7[%swap3A_24] {strides = array<i32>} : memref<272xi32, #tpu.memory_space<vmem>>, vector<16xi32>,
      %swap3A_26 = vector.shape_cast %swap3A_25 : vector<16xi32> to vector<16xi32>
      %swap3A_27 = vector.shape_cast %broadcast_in_dim3A_23 : vector<16xi32> to vector<16xi32>
      tpu.vector_store %arg7[%swap3A_24], %swap3A_27 {strides = array<i32>} : memref<272xi32, #tpu.memory_space<vmem>>, vector<16xi32>,
      %broadcast_in_dim3A_28 = arith.constant 0 : i32
      %broadcast_in_dim3A_29 = vector.broadcast %broadcast_in_dim3A_28 : i32 to vector<16xi32>
      %swap3A_30 = arith.constant 64 : index
      %swap3A_31 = tpu.vector_load %arg7[%swap3A_30] {strides = array<i32>} : memref<272xi32, #tpu.memory_space<vmem>>, vector<16xi32>,
      %swap3A_32 = vector.shape_cast %swap3A_31 : vector<16xi32> to vector<16xi32>
      %swap3A_33 = vector.shape_cast %broadcast_in_dim3A_29 : vector<16xi32> to vector<16xi32>
      tpu.vector_store %arg7[%swap3A_30], %swap3A_33 {strides = array<i32>} : memref<272xi32, #tpu.memory_space<vmem>>, vector<16xi32>,
      %broadcast_in_dim3A_34 = arith.constant 0 : i32
      %broadcast_in_dim3A_35 = vector.broadcast %broadcast_in_dim3A_34 : i32 to vector<16xi32>
      %swap3A_36 = arith.constant 80 : index
      %swap3A_37 = tpu.vector_load %arg7[%swap3A_36] {strides = array<i32>} : memref<272xi32, #tpu.memory_space<vmem>>, vector<16xi32>,
      %swap3A_38 = vector.shape_cast %swap3A_37 : vector<16xi32> to vector<16xi32>
      %swap3A_39 = vector.shape_cast %broadcast_in_dim3A_35 : vector<16xi32> to vector<16xi32>
      tpu.vector_store %arg7[%swap3A_36], %swap3A_39 {strides = array<i32>} : memref<272xi32, #tpu.memory_space<vmem>>, vector<16xi32>,
      %broadcast_in_dim3A_40 = arith.constant 0 : i32
      %broadcast_in_dim3A_41 = vector.broadcast %broadcast_in_dim3A_40 : i32 to vector<16xi32>
      %swap3A_42 = arith.constant 96 : index
      %swap3A_43 = tpu.vector_load %arg7[%swap3A_42] {strides = array<i32>} : memref<272xi32, #tpu.memory_space<vmem>>, vector<16xi32>,
      %swap3A_44 = vector.shape_cast %swap3A_43 : vector<16xi32> to vector<16xi32>
      %swap3A_45 = vector.shape_cast %broadcast_in_dim3A_41 : vector<16xi32> to vector<16xi32>
      tpu.vector_store %arg7[%swap3A_42], %swap3A_45 {strides = array<i32>} : memref<272xi32, #tpu.memory_space<vmem>>, vector<16xi32>,
      %broadcast_in_dim3A_46 = arith.constant 0 : i32
      %broadcast_in_dim3A_47 = vector.broadcast %broadcast_in_dim3A_46 : i32 to vector<16xi32>
      %swap3A_48 = arith.constant 112 : index
      %swap3A_49 = tpu.vector_load %arg7[%swap3A_48] {strides = array<i32>} : memref<272xi32, #tpu.memory_space<vmem>>, vector<16xi32>,
      %swap3A_50 = vector.shape_cast %swap3A_49 : vector<16xi32> to vector<16xi32>
      %swap3A_51 = vector.shape_cast %broadcast_in_dim3A_47 : vector<16xi32> to vector<16xi32>
      tpu.vector_store %arg7[%swap3A_48], %swap3A_51 {strides = array<i32>} : memref<272xi32, #tpu.memory_space<vmem>>, vector<16xi32>,
      %broadcast_in_dim3A_52 = arith.constant 0 : i32
      %broadcast_in_dim3A_53 = vector.broadcast %broadcast_in_dim3A_52 : i32 to vector<16xi32>
      %swap3A_54 = arith.constant 128 : index
      %swap3A_55 = tpu.vector_load %arg7[%swap3A_54] {strides = array<i32>} : memref<272xi32, #tpu.memory_space<vmem>>, vector<16xi32>,
      %swap3A_56 = vector.shape_cast %swap3A_55 : vector<16xi32> to vector<16xi32>
      %swap3A_57 = vector.shape_cast %broadcast_in_dim3A_53 : vector<16xi32> to vector<16xi32>
      tpu.vector_store %arg7[%swap3A_54], %swap3A_57 {strides = array<i32>} : memref<272xi32, #tpu.memory_space<vmem>>, vector<16xi32>,
      %broadcast_in_dim3A_58 = arith.constant 0 : i32
      %broadcast_in_dim3A_59 = vector.broadcast %broadcast_in_dim3A_58 : i32 to vector<16xi32>
      %swap3A_60 = arith.constant 144 : index
      %swap3A_61 = tpu.vector_load %arg7[%swap3A_60] {strides = array<i32>} : memref<272xi32, #tpu.memory_space<vmem>>, vector<16xi32>,
      %swap3A_62 = vector.shape_cast %swap3A_61 : vector<16xi32> to vector<16xi32>
      %swap3A_63 = vector.shape_cast %broadcast_in_dim3A_59 : vector<16xi32> to vector<16xi32>
      tpu.vector_store %arg7[%swap3A_60], %swap3A_63 {strides = array<i32>} : memref<272xi32, #tpu.memory_space<vmem>>, vector<16xi32>,
      %broadcast_in_dim3A_64 = arith.constant 0 : i32
      %broadcast_in_dim3A_65 = vector.broadcast %broadcast_in_dim3A_64 : i32 to vector<16xi32>
      %swap3A_66 = arith.constant 160 : index
      %swap3A_67 = tpu.vector_load %arg7[%swap3A_66] {strides = array<i32>} : memref<272xi32, #tpu.memory_space<vmem>>, vector<16xi32>,
      %swap3A_68 = vector.shape_cast %swap3A_67 : vector<16xi32> to vector<16xi32>
      %swap3A_69 = vector.shape_cast %broadcast_in_dim3A_65 : vector<16xi32> to vector<16xi32>
      tpu.vector_store %arg7[%swap3A_66], %swap3A_69 {strides = array<i32>} : memref<272xi32, #tpu.memory_space<vmem>>, vector<16xi32>,
      %broadcast_in_dim3A_70 = arith.constant 0 : i32
      %broadcast_in_dim3A_71 = vector.broadcast %broadcast_in_dim3A_70 : i32 to vector<16xi32>
      %swap3A_72 = arith.constant 176 : index
      %swap3A_73 = tpu.vector_load %arg7[%swap3A_72] {strides = array<i32>} : memref<272xi32, #tpu.memory_space<vmem>>, vector<16xi32>,
      %swap3A_74 = vector.shape_cast %swap3A_73 : vector<16xi32> to vector<16xi32>
      %swap3A_75 = vector.shape_cast %broadcast_in_dim3A_71 : vector<16xi32> to vector<16xi32>
      tpu.vector_store %arg7[%swap3A_72], %swap3A_75 {strides = array<i32>} : memref<272xi32, #tpu.memory_space<vmem>>, vector<16xi32>,
      %broadcast_in_dim3A_76 = arith.constant 0 : i32
      %broadcast_in_dim3A_77 = vector.broadcast %broadcast_in_dim3A_76 : i32 to vector<16xi32>
      %swap3A_78 = arith.constant 192 : index
      %swap3A_79 = tpu.vector_load %arg7[%swap3A_78] {strides = array<i32>} : memref<272xi32, #tpu.memory_space<vmem>>, vector<16xi32>,
      %swap3A_80 = vector.shape_cast %swap3A_79 : vector<16xi32> to vector<16xi32>
      %swap3A_81 = vector.shape_cast %broadcast_in_dim3A_77 : vector<16xi32> to vector<16xi32>
      tpu.vector_store %arg7[%swap3A_78], %swap3A_81 {strides = array<i32>} : memref<272xi32, #tpu.memory_space<vmem>>, vector<16xi32>,
      %broadcast_in_dim3A_82 = arith.constant 0 : i32
      %broadcast_in_dim3A_83 = vector.broadcast %broadcast_in_dim3A_82 : i32 to vector<16xi32>
      %swap3A_84 = arith.constant 208 : index
      %swap3A_85 = tpu.vector_load %arg7[%swap3A_84] {strides = array<i32>} : memref<272xi32, #tpu.memory_space<vmem>>, vector<16xi32>,
      %swap3A_86 = vector.shape_cast %swap3A_85 : vector<16xi32> to vector<16xi32>
      %swap3A_87 = vector.shape_cast %broadcast_in_dim3A_83 : vector<16xi32> to vector<16xi32>
      tpu.vector_store %arg7[%swap3A_84], %swap3A_87 {strides = array<i32>} : memref<272xi32, #tpu.memory_space<vmem>>, vector<16xi32>,
      %broadcast_in_dim3A_88 = arith.constant 0 : i32
      %broadcast_in_dim3A_89 = vector.broadcast %broadcast_in_dim3A_88 : i32 to vector<16xi32>
      %swap3A_90 = arith.constant 224 : index
      %swap3A_91 = tpu.vector_load %arg7[%swap3A_90] {strides = array<i32>} : memref<272xi32, #tpu.memory_space<vmem>>, vector<16xi32>,
      %swap3A_92 = vector.shape_cast %swap3A_91 : vector<16xi32> to vector<16xi32>
      %swap3A_93 = vector.shape_cast %broadcast_in_dim3A_89 : vector<16xi32> to vector<16xi32>
      tpu.vector_store %arg7[%swap3A_90], %swap3A_93 {strides = array<i32>} : memref<272xi32, #tpu.memory_space<vmem>>, vector<16xi32>,
      %broadcast_in_dim3A_94 = arith.constant 0 : i32
      %broadcast_in_dim3A_95 = vector.broadcast %broadcast_in_dim3A_94 : i32 to vector<16xi32>
      %swap3A_96 = arith.constant 240 : index
      %swap3A_97 = tpu.vector_load %arg7[%swap3A_96] {strides = array<i32>} : memref<272xi32, #tpu.memory_space<vmem>>, vector<16xi32>,
      %swap3A_98 = vector.shape_cast %swap3A_97 : vector<16xi32> to vector<16xi32>
      %swap3A_99 = vector.shape_cast %broadcast_in_dim3A_95 : vector<16xi32> to vector<16xi32>
      tpu.vector_store %arg7[%swap3A_96], %swap3A_99 {strides = array<i32>} : memref<272xi32, #tpu.memory_space<vmem>>, vector<16xi32>,
      %broadcast_in_dim3A_100 = arith.constant 0 : i32
      %broadcast_in_dim3A_101 = vector.broadcast %broadcast_in_dim3A_100 : i32 to vector<16xi32>
      %swap3A_102 = arith.constant 256 : index
      %swap3A_103 = tpu.vector_load %arg7[%swap3A_102] {strides = array<i32>} : memref<272xi32, #tpu.memory_space<vmem>>, vector<16xi32>,
      %swap3A_104 = vector.shape_cast %swap3A_103 : vector<16xi32> to vector<16xi32>
      %swap3A_105 = vector.shape_cast %broadcast_in_dim3A_101 : vector<16xi32> to vector<16xi32>
      tpu.vector_store %arg7[%swap3A_102], %swap3A_105 {strides = array<i32>} : memref<272xi32, #tpu.memory_space<vmem>>, vector<16xi32>,
      %scan3A = arith.constant 0 : i32
      %scan3A_106 = arith.constant 0 : i32
      %scan3A_107 = arith.constant 64 : i32
      %scan3A_108 = arith.addi %scan3A_106, %scan3A_107 : i32
      %scan3A_109 = arith.constant 1 : i32
      scf.for %scan3A_226 = %scan3A_106 to %scan3A_108 step %scan3A_109  : i32 {
        %get3A = arith.index_cast %scan3A_226 : i32 to index
        %get3A_227 = tpu.vector_load %arg6[%get3A] {strides = array<i32>} : memref<80xi32, #tpu.memory_space<vmem>>, vector<16xi32>,
        %get3A_228 = vector.shape_cast %get3A_227 : vector<16xi32> to vector<16xi32>
        %slice3A = vector.extract_strided_slice %get3A_228 {offsets = [0], sizes = [1], strides = [1]} : vector<16xi32> to vector<1xi32>
        %squeeze3A = vector.extract %slice3A[0] : i32 from vector<1xi32>
        %get3A_229 = arith.index_cast %squeeze3A : i32 to index
        %get3A_230 = tpu.vector_load %arg7[%get3A_229] {strides = array<i32>} : memref<272xi32, #tpu.memory_space<vmem>>, vector<16xi32>,
        %get3A_231 = vector.shape_cast %get3A_230 : vector<16xi32> to vector<16xi32>
        %slice3A_232 = vector.extract_strided_slice %get3A_231 {offsets = [0], sizes = [1], strides = [1]} : vector<16xi32> to vector<1xi32>
        %squeeze3A_233 = vector.extract %slice3A_232[0] : i32 from vector<1xi32>
        %get3A_234 = arith.index_cast %scan3A_226 : i32 to index
        %get3A_235 = tpu.vector_load %arg8[%get3A_234] {strides = array<i32>} : memref<80xi32, #tpu.memory_space<vmem>>, vector<16xi32>,
        %get3A_236 = vector.shape_cast %get3A_235 : vector<16xi32> to vector<16xi32>
        %broadcast_in_dim3A_237 = vector.broadcast %squeeze3A_233 : i32 to vector<16xi32>
        %select_n3A = arith.select %eq3A_5, %broadcast_in_dim3A_237, %get3A_236 : vector<16xi1>, vector<16xi32>
        %swap3A_238 = arith.index_cast %scan3A_226 : i32 to index
        %swap3A_239 = tpu.vector_load %arg8[%swap3A_238] {strides = array<i32>} : memref<80xi32, #tpu.memory_space<vmem>>, vector<16xi32>,
        %swap3A_240 = vector.shape_cast %swap3A_239 : vector<16xi32> to vector<16xi32>
        %swap3A_241 = vector.shape_cast %select_n3A : vector<16xi32> to vector<16xi32>
        tpu.vector_store %arg8[%swap3A_238], %swap3A_241 {strides = array<i32>} : memref<80xi32, #tpu.memory_space<vmem>>, vector<16xi32>,
        %add3A = arith.constant 1 : i32
        %add3A_242 = arith.addi %squeeze3A_233, %add3A : i32
        %broadcast_in_dim3A_243 = vector.broadcast %add3A_242 : i32 to vector<16xi32>
        %select_n3A_244 = arith.select %eq3A_5, %broadcast_in_dim3A_243, %get3A_231 : vector<16xi1>, vector<16xi32>
        %swap3A_245 = arith.index_cast %squeeze3A : i32 to index
        %swap3A_246 = tpu.vector_load %arg7[%swap3A_245] {strides = array<i32>} : memref<272xi32, #tpu.memory_space<vmem>>, vector<16xi32>,
        %swap3A_247 = vector.shape_cast %swap3A_246 : vector<16xi32> to vector<16xi32>
        %swap3A_248 = vector.shape_cast %select_n3A_244 : vector<16xi32> to vector<16xi32>
        tpu.vector_store %arg7[%swap3A_245], %swap3A_248 {strides = array<i32>} : memref<272xi32, #tpu.memory_space<vmem>>, vector<16xi32>,
      }
      %scan3A_110 = arith.constant 64 : i32
      %mul3A_111 = arith.constant 256 : i32
      %mul3A_112 = arith.muli %arg1, %mul3A_111 : i32
      "tpu.region"() ({
        %run_scoped3A = tpu.sem_alloc : memref<!tpu.dma_semaphore, #tpu.memory_space<semaphore_mem>>
        %dma_start3A = arith.constant 0 : i32
        %dma_start3A_226 = tpu.memref_slice %arg7[%dma_start3A] : memref<272xi32, #tpu.memory_space<vmem>> -> memref<256xi32, #tpu.memory_space<vmem>>
        %dma_start3A_227 = tpu.memref_slice %arg5[%mul3A_112] : memref<4096xi32, #tpu.memory_space<hbm>> -> memref<256xi32, #tpu.memory_space<hbm>>
        %dma_start3A_228 = tpu.memref_slice %arg5[%mul3A_112] : memref<4096xi32, #tpu.memory_space<hbm>> -> memref<256xi32, #tpu.memory_space<hbm>>
        %dma_start3A_229 = arith.constant 0 : i32
        %dma_start3A_230 = tpu.memref_slice %arg7[%dma_start3A_229] : memref<272xi32, #tpu.memory_space<vmem>> -> memref<256xi32, #tpu.memory_space<vmem>>
        tpu.enqueue_dma source(%dma_start3A_230 : memref<256xi32, #tpu.memory_space<vmem>>) target(%dma_start3A_228 : memref<256xi32, #tpu.memory_space<hbm>>) target_semaphore(%run_scoped3A : memref<!tpu.dma_semaphore, #tpu.memory_space<semaphore_mem>>)
        %dma_wait3A = arith.constant 0 : i32
        %dma_wait3A_231 = tpu.memref_slice %arg7[%dma_wait3A] : memref<272xi32, #tpu.memory_space<vmem>> -> memref<256xi32, #tpu.memory_space<vmem>>
        %dma_wait3A_232 = tpu.memref_slice %arg5[%mul3A_112] : memref<4096xi32, #tpu.memory_space<hbm>> -> memref<256xi32, #tpu.memory_space<hbm>>
        %dma_wait3A_233 = tpu.memref_slice %arg5[%mul3A_112] : memref<4096xi32, #tpu.memory_space<hbm>> -> memref<256xi32, #tpu.memory_space<hbm>>
        %dma_wait3A_234 = arith.constant 0 : i32
        %dma_wait3A_235 = tpu.memref_slice %arg7[%dma_wait3A_234] : memref<272xi32, #tpu.memory_space<vmem>> -> memref<256xi32, #tpu.memory_space<vmem>>
        tpu.wait_dma2 semaphore(%run_scoped3A : memref<!tpu.dma_semaphore, #tpu.memory_space<semaphore_mem>>) src(%dma_wait3A_235 : memref<256xi32, #tpu.memory_space<vmem>>) dst(%dma_wait3A_233 : memref<256xi32, #tpu.memory_space<hbm>>)
        tpu.yield
      }) : () -> ()
      %barrier3A = arith.constant 0 : index
      tpu.barrier barrier_id(%barrier3A)
      "tpu.region"() ({
        %run_scoped3A = tpu.sem_alloc : memref<!tpu.dma_semaphore, #tpu.memory_space<semaphore_mem>>
        tpu.enqueue_dma source(%arg5 : memref<4096xi32, #tpu.memory_space<hbm>>) target(%arg9 : memref<4096xi32, #tpu.memory_space<vmem>>) target_semaphore(%run_scoped3A : memref<!tpu.dma_semaphore, #tpu.memory_space<semaphore_mem>>)
        tpu.wait_dma2 semaphore(%run_scoped3A : memref<!tpu.dma_semaphore, #tpu.memory_space<semaphore_mem>>) src(%arg5 : memref<4096xi32, #tpu.memory_space<hbm>>) dst(%arg9 : memref<4096xi32, #tpu.memory_space<vmem>>)
        tpu.yield
      }) : () -> ()
      %broadcast_in_dim3A_113 = arith.constant 0 : i32
      %broadcast_in_dim3A_114 = vector.broadcast %broadcast_in_dim3A_113 : i32 to vector<16xi32>
      %swap3A_115 = arith.constant 0 : index
      %swap3A_116 = tpu.vector_load %arg10[%swap3A_115] {strides = array<i32>} : memref<272xi32, #tpu.memory_space<vmem>>, vector<16xi32>,
      %swap3A_117 = vector.shape_cast %swap3A_116 : vector<16xi32> to vector<16xi32>
      %swap3A_118 = vector.shape_cast %broadcast_in_dim3A_114 : vector<16xi32> to vector<16xi32>
      tpu.vector_store %arg10[%swap3A_115], %swap3A_118 {strides = array<i32>} : memref<272xi32, #tpu.memory_space<vmem>>, vector<16xi32>,
      %broadcast_in_dim3A_119 = arith.constant 0 : i32
      %broadcast_in_dim3A_120 = vector.broadcast %broadcast_in_dim3A_119 : i32 to vector<16xi32>
      %swap3A_121 = arith.constant 16 : index
      %swap3A_122 = tpu.vector_load %arg10[%swap3A_121] {strides = array<i32>} : memref<272xi32, #tpu.memory_space<vmem>>, vector<16xi32>,
      %swap3A_123 = vector.shape_cast %swap3A_122 : vector<16xi32> to vector<16xi32>
      %swap3A_124 = vector.shape_cast %broadcast_in_dim3A_120 : vector<16xi32> to vector<16xi32>
      tpu.vector_store %arg10[%swap3A_121], %swap3A_124 {strides = array<i32>} : memref<272xi32, #tpu.memory_space<vmem>>, vector<16xi32>,
      %broadcast_in_dim3A_125 = arith.constant 0 : i32
      %broadcast_in_dim3A_126 = vector.broadcast %broadcast_in_dim3A_125 : i32 to vector<16xi32>
      %swap3A_127 = arith.constant 32 : index
      %swap3A_128 = tpu.vector_load %arg10[%swap3A_127] {strides = array<i32>} : memref<272xi32, #tpu.memory_space<vmem>>, vector<16xi32>,
      %swap3A_129 = vector.shape_cast %swap3A_128 : vector<16xi32> to vector<16xi32>
      %swap3A_130 = vector.shape_cast %broadcast_in_dim3A_126 : vector<16xi32> to vector<16xi32>
      tpu.vector_store %arg10[%swap3A_127], %swap3A_130 {strides = array<i32>} : memref<272xi32, #tpu.memory_space<vmem>>, vector<16xi32>,
      %broadcast_in_dim3A_131 = arith.constant 0 : i32
      %broadcast_in_dim3A_132 = vector.broadcast %broadcast_in_dim3A_131 : i32 to vector<16xi32>
      %swap3A_133 = arith.constant 48 : index
      %swap3A_134 = tpu.vector_load %arg10[%swap3A_133] {strides = array<i32>} : memref<272xi32, #tpu.memory_space<vmem>>, vector<16xi32>,
      %swap3A_135 = vector.shape_cast %swap3A_134 : vector<16xi32> to vector<16xi32>
      %swap3A_136 = vector.shape_cast %broadcast_in_dim3A_132 : vector<16xi32> to vector<16xi32>
      tpu.vector_store %arg10[%swap3A_133], %swap3A_136 {strides = array<i32>} : memref<272xi32, #tpu.memory_space<vmem>>, vector<16xi32>,
      %broadcast_in_dim3A_137 = arith.constant 0 : i32
      %broadcast_in_dim3A_138 = vector.broadcast %broadcast_in_dim3A_137 : i32 to vector<16xi32>
      %swap3A_139 = arith.constant 64 : index
      %swap3A_140 = tpu.vector_load %arg10[%swap3A_139] {strides = array<i32>} : memref<272xi32, #tpu.memory_space<vmem>>, vector<16xi32>,
      %swap3A_141 = vector.shape_cast %swap3A_140 : vector<16xi32> to vector<16xi32>
      %swap3A_142 = vector.shape_cast %broadcast_in_dim3A_138 : vector<16xi32> to vector<16xi32>
      tpu.vector_store %arg10[%swap3A_139], %swap3A_142 {strides = array<i32>} : memref<272xi32, #tpu.memory_space<vmem>>, vector<16xi32>,
      %broadcast_in_dim3A_143 = arith.constant 0 : i32
      %broadcast_in_dim3A_144 = vector.broadcast %broadcast_in_dim3A_143 : i32 to vector<16xi32>
      %swap3A_145 = arith.constant 80 : index
      %swap3A_146 = tpu.vector_load %arg10[%swap3A_145] {strides = array<i32>} : memref<272xi32, #tpu.memory_space<vmem>>, vector<16xi32>,
      %swap3A_147 = vector.shape_cast %swap3A_146 : vector<16xi32> to vector<16xi32>
      %swap3A_148 = vector.shape_cast %broadcast_in_dim3A_144 : vector<16xi32> to vector<16xi32>
      tpu.vector_store %arg10[%swap3A_145], %swap3A_148 {strides = array<i32>} : memref<272xi32, #tpu.memory_space<vmem>>, vector<16xi32>,
      %broadcast_in_dim3A_149 = arith.constant 0 : i32
      %broadcast_in_dim3A_150 = vector.broadcast %broadcast_in_dim3A_149 : i32 to vector<16xi32>
      %swap3A_151 = arith.constant 96 : index
      %swap3A_152 = tpu.vector_load %arg10[%swap3A_151] {strides = array<i32>} : memref<272xi32, #tpu.memory_space<vmem>>, vector<16xi32>,
      %swap3A_153 = vector.shape_cast %swap3A_152 : vector<16xi32> to vector<16xi32>
      %swap3A_154 = vector.shape_cast %broadcast_in_dim3A_150 : vector<16xi32> to vector<16xi32>
      tpu.vector_store %arg10[%swap3A_151], %swap3A_154 {strides = array<i32>} : memref<272xi32, #tpu.memory_space<vmem>>, vector<16xi32>,
      %broadcast_in_dim3A_155 = arith.constant 0 : i32
      %broadcast_in_dim3A_156 = vector.broadcast %broadcast_in_dim3A_155 : i32 to vector<16xi32>
      %swap3A_157 = arith.constant 112 : index
      %swap3A_158 = tpu.vector_load %arg10[%swap3A_157] {strides = array<i32>} : memref<272xi32, #tpu.memory_space<vmem>>, vector<16xi32>,
      %swap3A_159 = vector.shape_cast %swap3A_158 : vector<16xi32> to vector<16xi32>
      %swap3A_160 = vector.shape_cast %broadcast_in_dim3A_156 : vector<16xi32> to vector<16xi32>
      tpu.vector_store %arg10[%swap3A_157], %swap3A_160 {strides = array<i32>} : memref<272xi32, #tpu.memory_space<vmem>>, vector<16xi32>,
      %broadcast_in_dim3A_161 = arith.constant 0 : i32
      %broadcast_in_dim3A_162 = vector.broadcast %broadcast_in_dim3A_161 : i32 to vector<16xi32>
      %swap3A_163 = arith.constant 128 : index
      %swap3A_164 = tpu.vector_load %arg10[%swap3A_163] {strides = array<i32>} : memref<272xi32, #tpu.memory_space<vmem>>, vector<16xi32>,
      %swap3A_165 = vector.shape_cast %swap3A_164 : vector<16xi32> to vector<16xi32>
      %swap3A_166 = vector.shape_cast %broadcast_in_dim3A_162 : vector<16xi32> to vector<16xi32>
      tpu.vector_store %arg10[%swap3A_163], %swap3A_166 {strides = array<i32>} : memref<272xi32, #tpu.memory_space<vmem>>, vector<16xi32>,
      %broadcast_in_dim3A_167 = arith.constant 0 : i32
      %broadcast_in_dim3A_168 = vector.broadcast %broadcast_in_dim3A_167 : i32 to vector<16xi32>
      %swap3A_169 = arith.constant 144 : index
      %swap3A_170 = tpu.vector_load %arg10[%swap3A_169] {strides = array<i32>} : memref<272xi32, #tpu.memory_space<vmem>>, vector<16xi32>,
      %swap3A_171 = vector.shape_cast %swap3A_170 : vector<16xi32> to vector<16xi32>
      %swap3A_172 = vector.shape_cast %broadcast_in_dim3A_168 : vector<16xi32> to vector<16xi32>
      tpu.vector_store %arg10[%swap3A_169], %swap3A_172 {strides = array<i32>} : memref<272xi32, #tpu.memory_space<vmem>>, vector<16xi32>,
      %broadcast_in_dim3A_173 = arith.constant 0 : i32
      %broadcast_in_dim3A_174 = vector.broadcast %broadcast_in_dim3A_173 : i32 to vector<16xi32>
      %swap3A_175 = arith.constant 160 : index
      %swap3A_176 = tpu.vector_load %arg10[%swap3A_175] {strides = array<i32>} : memref<272xi32, #tpu.memory_space<vmem>>, vector<16xi32>,
      %swap3A_177 = vector.shape_cast %swap3A_176 : vector<16xi32> to vector<16xi32>
      %swap3A_178 = vector.shape_cast %broadcast_in_dim3A_174 : vector<16xi32> to vector<16xi32>
      tpu.vector_store %arg10[%swap3A_175], %swap3A_178 {strides = array<i32>} : memref<272xi32, #tpu.memory_space<vmem>>, vector<16xi32>,
      %broadcast_in_dim3A_179 = arith.constant 0 : i32
      %broadcast_in_dim3A_180 = vector.broadcast %broadcast_in_dim3A_179 : i32 to vector<16xi32>
      %swap3A_181 = arith.constant 176 : index
      %swap3A_182 = tpu.vector_load %arg10[%swap3A_181] {strides = array<i32>} : memref<272xi32, #tpu.memory_space<vmem>>, vector<16xi32>,
      %swap3A_183 = vector.shape_cast %swap3A_182 : vector<16xi32> to vector<16xi32>
      %swap3A_184 = vector.shape_cast %broadcast_in_dim3A_180 : vector<16xi32> to vector<16xi32>
      tpu.vector_store %arg10[%swap3A_181], %swap3A_184 {strides = array<i32>} : memref<272xi32, #tpu.memory_space<vmem>>, vector<16xi32>,
      %broadcast_in_dim3A_185 = arith.constant 0 : i32
      %broadcast_in_dim3A_186 = vector.broadcast %broadcast_in_dim3A_185 : i32 to vector<16xi32>
      %swap3A_187 = arith.constant 192 : index
      %swap3A_188 = tpu.vector_load %arg10[%swap3A_187] {strides = array<i32>} : memref<272xi32, #tpu.memory_space<vmem>>, vector<16xi32>,
      %swap3A_189 = vector.shape_cast %swap3A_188 : vector<16xi32> to vector<16xi32>
      %swap3A_190 = vector.shape_cast %broadcast_in_dim3A_186 : vector<16xi32> to vector<16xi32>
      tpu.vector_store %arg10[%swap3A_187], %swap3A_190 {strides = array<i32>} : memref<272xi32, #tpu.memory_space<vmem>>, vector<16xi32>,
      %broadcast_in_dim3A_191 = arith.constant 0 : i32
      %broadcast_in_dim3A_192 = vector.broadcast %broadcast_in_dim3A_191 : i32 to vector<16xi32>
      %swap3A_193 = arith.constant 208 : index
      %swap3A_194 = tpu.vector_load %arg10[%swap3A_193] {strides = array<i32>} : memref<272xi32, #tpu.memory_space<vmem>>, vector<16xi32>,
      %swap3A_195 = vector.shape_cast %swap3A_194 : vector<16xi32> to vector<16xi32>
      %swap3A_196 = vector.shape_cast %broadcast_in_dim3A_192 : vector<16xi32> to vector<16xi32>
      tpu.vector_store %arg10[%swap3A_193], %swap3A_196 {strides = array<i32>} : memref<272xi32, #tpu.memory_space<vmem>>, vector<16xi32>,
      %broadcast_in_dim3A_197 = arith.constant 0 : i32
      %broadcast_in_dim3A_198 = vector.broadcast %broadcast_in_dim3A_197 : i32 to vector<16xi32>
      %swap3A_199 = arith.constant 224 : index
      %swap3A_200 = tpu.vector_load %arg10[%swap3A_199] {strides = array<i32>} : memref<272xi32, #tpu.memory_space<vmem>>, vector<16xi32>,
      %swap3A_201 = vector.shape_cast %swap3A_200 : vector<16xi32> to vector<16xi32>
      %swap3A_202 = vector.shape_cast %broadcast_in_dim3A_198 : vector<16xi32> to vector<16xi32>
      tpu.vector_store %arg10[%swap3A_199], %swap3A_202 {strides = array<i32>} : memref<272xi32, #tpu.memory_space<vmem>>, vector<16xi32>,
      %broadcast_in_dim3A_203 = arith.constant 0 : i32
      %broadcast_in_dim3A_204 = vector.broadcast %broadcast_in_dim3A_203 : i32 to vector<16xi32>
      %swap3A_205 = arith.constant 240 : index
      %swap3A_206 = tpu.vector_load %arg10[%swap3A_205] {strides = array<i32>} : memref<272xi32, #tpu.memory_space<vmem>>, vector<16xi32>,
      %swap3A_207 = vector.shape_cast %swap3A_206 : vector<16xi32> to vector<16xi32>
      %swap3A_208 = vector.shape_cast %broadcast_in_dim3A_204 : vector<16xi32> to vector<16xi32>
      tpu.vector_store %arg10[%swap3A_205], %swap3A_208 {strides = array<i32>} : memref<272xi32, #tpu.memory_space<vmem>>, vector<16xi32>,
      %scan3A_209 = arith.constant 0 : i32
      %scan3A_210 = arith.constant 0 : i32
      %scan3A_211 = arith.constant 16 : i32
      %scan3A_212 = arith.addi %scan3A_210, %scan3A_211 : i32
      %scan3A_213 = arith.constant 1 : i32
      scf.for %scan3A_226 = %scan3A_210 to %scan3A_212 step %scan3A_213  : i32 {
        %lt3A = arith.cmpi slt, %scan3A_226, %arg1 : i32
        %convert_element_type3A_227 = arith.extui %lt3A : i1 to i32
        %cond3A_228 = arith.constant 0 : i32
        %cond3A_229 = arith.cmpi ne, %convert_element_type3A_227, %cond3A_228 : i32
        scf.if %cond3A_229 {
          %get3A = arith.constant 0 : index
          %get3A_230 = tpu.vector_load %arg10[%get3A] {strides = array<i32>} : memref<272xi32, #tpu.memory_space<vmem>>, vector<16xi32>,
          %get3A_231 = vector.shape_cast %get3A_230 : vector<16xi32> to vector<16xi32>
          %mul3A_232 = arith.constant 256 : i32
          %mul3A_233 = arith.muli %scan3A_226, %mul3A_232 : i32
          %add3A = arith.constant 0 : i32
          %add3A_234 = arith.addi %mul3A_233, %add3A : i32
          %get3A_235 = arith.index_cast %add3A_234 : i32 to index
          %get3A_236 = tpu.vector_load %arg9[%get3A_235] {strides = array<i32>} : memref<4096xi32, #tpu.memory_space<vmem>>, vector<16xi32>,
          %get3A_237 = vector.shape_cast %get3A_236 : vector<16xi32> to vector<16xi32>
          %add3A_238 = arith.addi %get3A_231, %get3A_237 : vector<16xi32>
          %swap3A_239 = arith.constant 0 : index
          %swap3A_240 = tpu.vector_load %arg10[%swap3A_239] {strides = array<i32>} : memref<272xi32, #tpu.memory_space<vmem>>, vector<16xi32>,
          %swap3A_241 = vector.shape_cast %swap3A_240 : vector<16xi32> to vector<16xi32>
          %swap3A_242 = vector.shape_cast %add3A_238 : vector<16xi32> to vector<16xi32>
          tpu.vector_store %arg10[%swap3A_239], %swap3A_242 {strides = array<i32>} : memref<272xi32, #tpu.memory_space<vmem>>, vector<16xi32>,
          %get3A_243 = arith.constant 16 : index
          %get3A_244 = tpu.vector_load %arg10[%get3A_243] {strides = array<i32>} : memref<272xi32, #tpu.memory_space<vmem>>, vector<16xi32>,
          %get3A_245 = vector.shape_cast %get3A_244 : vector<16xi32> to vector<16xi32>
          %mul3A_246 = arith.constant 256 : i32
          %mul3A_247 = arith.muli %scan3A_226, %mul3A_246 : i32
          %add3A_248 = arith.constant 16 : i32
          %add3A_249 = arith.addi %mul3A_247, %add3A_248 : i32
          %get3A_250 = arith.index_cast %add3A_249 : i32 to index
          %get3A_251 = tpu.vector_load %arg9[%get3A_250] {strides = array<i32>} : memref<4096xi32, #tpu.memory_space<vmem>>, vector<16xi32>,
          %get3A_252 = vector.shape_cast %get3A_251 : vector<16xi32> to vector<16xi32>
          %add3A_253 = arith.addi %get3A_245, %get3A_252 : vector<16xi32>
          %swap3A_254 = arith.constant 16 : index
          %swap3A_255 = tpu.vector_load %arg10[%swap3A_254] {strides = array<i32>} : memref<272xi32, #tpu.memory_space<vmem>>, vector<16xi32>,
          %swap3A_256 = vector.shape_cast %swap3A_255 : vector<16xi32> to vector<16xi32>
          %swap3A_257 = vector.shape_cast %add3A_253 : vector<16xi32> to vector<16xi32>
          tpu.vector_store %arg10[%swap3A_254], %swap3A_257 {strides = array<i32>} : memref<272xi32, #tpu.memory_space<vmem>>, vector<16xi32>,
          %get3A_258 = arith.constant 32 : index
          %get3A_259 = tpu.vector_load %arg10[%get3A_258] {strides = array<i32>} : memref<272xi32, #tpu.memory_space<vmem>>, vector<16xi32>,
          %get3A_260 = vector.shape_cast %get3A_259 : vector<16xi32> to vector<16xi32>
          %mul3A_261 = arith.constant 256 : i32
          %mul3A_262 = arith.muli %scan3A_226, %mul3A_261 : i32
          %add3A_263 = arith.constant 32 : i32
          %add3A_264 = arith.addi %mul3A_262, %add3A_263 : i32
          %get3A_265 = arith.index_cast %add3A_264 : i32 to index
          %get3A_266 = tpu.vector_load %arg9[%get3A_265] {strides = array<i32>} : memref<4096xi32, #tpu.memory_space<vmem>>, vector<16xi32>,
          %get3A_267 = vector.shape_cast %get3A_266 : vector<16xi32> to vector<16xi32>
          %add3A_268 = arith.addi %get3A_260, %get3A_267 : vector<16xi32>
          %swap3A_269 = arith.constant 32 : index
          %swap3A_270 = tpu.vector_load %arg10[%swap3A_269] {strides = array<i32>} : memref<272xi32, #tpu.memory_space<vmem>>, vector<16xi32>,
          %swap3A_271 = vector.shape_cast %swap3A_270 : vector<16xi32> to vector<16xi32>
          %swap3A_272 = vector.shape_cast %add3A_268 : vector<16xi32> to vector<16xi32>
          tpu.vector_store %arg10[%swap3A_269], %swap3A_272 {strides = array<i32>} : memref<272xi32, #tpu.memory_space<vmem>>, vector<16xi32>,
          %get3A_273 = arith.constant 48 : index
          %get3A_274 = tpu.vector_load %arg10[%get3A_273] {strides = array<i32>} : memref<272xi32, #tpu.memory_space<vmem>>, vector<16xi32>,
          %get3A_275 = vector.shape_cast %get3A_274 : vector<16xi32> to vector<16xi32>
          %mul3A_276 = arith.constant 256 : i32
          %mul3A_277 = arith.muli %scan3A_226, %mul3A_276 : i32
          %add3A_278 = arith.constant 48 : i32
          %add3A_279 = arith.addi %mul3A_277, %add3A_278 : i32
          %get3A_280 = arith.index_cast %add3A_279 : i32 to index
          %get3A_281 = tpu.vector_load %arg9[%get3A_280] {strides = array<i32>} : memref<4096xi32, #tpu.memory_space<vmem>>, vector<16xi32>,
          %get3A_282 = vector.shape_cast %get3A_281 : vector<16xi32> to vector<16xi32>
          %add3A_283 = arith.addi %get3A_275, %get3A_282 : vector<16xi32>
          %swap3A_284 = arith.constant 48 : index
          %swap3A_285 = tpu.vector_load %arg10[%swap3A_284] {strides = array<i32>} : memref<272xi32, #tpu.memory_space<vmem>>, vector<16xi32>,
          %swap3A_286 = vector.shape_cast %swap3A_285 : vector<16xi32> to vector<16xi32>
          %swap3A_287 = vector.shape_cast %add3A_283 : vector<16xi32> to vector<16xi32>
          tpu.vector_store %arg10[%swap3A_284], %swap3A_287 {strides = array<i32>} : memref<272xi32, #tpu.memory_space<vmem>>, vector<16xi32>,
          %get3A_288 = arith.constant 64 : index
          %get3A_289 = tpu.vector_load %arg10[%get3A_288] {strides = array<i32>} : memref<272xi32, #tpu.memory_space<vmem>>, vector<16xi32>,
          %get3A_290 = vector.shape_cast %get3A_289 : vector<16xi32> to vector<16xi32>
          %mul3A_291 = arith.constant 256 : i32
          %mul3A_292 = arith.muli %scan3A_226, %mul3A_291 : i32
          %add3A_293 = arith.constant 64 : i32
          %add3A_294 = arith.addi %mul3A_292, %add3A_293 : i32
          %get3A_295 = arith.index_cast %add3A_294 : i32 to index
          %get3A_296 = tpu.vector_load %arg9[%get3A_295] {strides = array<i32>} : memref<4096xi32, #tpu.memory_space<vmem>>, vector<16xi32>,
          %get3A_297 = vector.shape_cast %get3A_296 : vector<16xi32> to vector<16xi32>
          %add3A_298 = arith.addi %get3A_290, %get3A_297 : vector<16xi32>
          %swap3A_299 = arith.constant 64 : index
          %swap3A_300 = tpu.vector_load %arg10[%swap3A_299] {strides = array<i32>} : memref<272xi32, #tpu.memory_space<vmem>>, vector<16xi32>,
          %swap3A_301 = vector.shape_cast %swap3A_300 : vector<16xi32> to vector<16xi32>
          %swap3A_302 = vector.shape_cast %add3A_298 : vector<16xi32> to vector<16xi32>
          tpu.vector_store %arg10[%swap3A_299], %swap3A_302 {strides = array<i32>} : memref<272xi32, #tpu.memory_space<vmem>>, vector<16xi32>,
          %get3A_303 = arith.constant 80 : index
          %get3A_304 = tpu.vector_load %arg10[%get3A_303] {strides = array<i32>} : memref<272xi32, #tpu.memory_space<vmem>>, vector<16xi32>,
          %get3A_305 = vector.shape_cast %get3A_304 : vector<16xi32> to vector<16xi32>
          %mul3A_306 = arith.constant 256 : i32
          %mul3A_307 = arith.muli %scan3A_226, %mul3A_306 : i32
          %add3A_308 = arith.constant 80 : i32
          %add3A_309 = arith.addi %mul3A_307, %add3A_308 : i32
          %get3A_310 = arith.index_cast %add3A_309 : i32 to index
          %get3A_311 = tpu.vector_load %arg9[%get3A_310] {strides = array<i32>} : memref<4096xi32, #tpu.memory_space<vmem>>, vector<16xi32>,
          %get3A_312 = vector.shape_cast %get3A_311 : vector<16xi32> to vector<16xi32>
          %add3A_313 = arith.addi %get3A_305, %get3A_312 : vector<16xi32>
          %swap3A_314 = arith.constant 80 : index
          %swap3A_315 = tpu.vector_load %arg10[%swap3A_314] {strides = array<i32>} : memref<272xi32, #tpu.memory_space<vmem>>, vector<16xi32>,
          %swap3A_316 = vector.shape_cast %swap3A_315 : vector<16xi32> to vector<16xi32>
          %swap3A_317 = vector.shape_cast %add3A_313 : vector<16xi32> to vector<16xi32>
          tpu.vector_store %arg10[%swap3A_314], %swap3A_317 {strides = array<i32>} : memref<272xi32, #tpu.memory_space<vmem>>, vector<16xi32>,
          %get3A_318 = arith.constant 96 : index
          %get3A_319 = tpu.vector_load %arg10[%get3A_318] {strides = array<i32>} : memref<272xi32, #tpu.memory_space<vmem>>, vector<16xi32>,
          %get3A_320 = vector.shape_cast %get3A_319 : vector<16xi32> to vector<16xi32>
          %mul3A_321 = arith.constant 256 : i32
          %mul3A_322 = arith.muli %scan3A_226, %mul3A_321 : i32
          %add3A_323 = arith.constant 96 : i32
          %add3A_324 = arith.addi %mul3A_322, %add3A_323 : i32
          %get3A_325 = arith.index_cast %add3A_324 : i32 to index
          %get3A_326 = tpu.vector_load %arg9[%get3A_325] {strides = array<i32>} : memref<4096xi32, #tpu.memory_space<vmem>>, vector<16xi32>,
          %get3A_327 = vector.shape_cast %get3A_326 : vector<16xi32> to vector<16xi32>
          %add3A_328 = arith.addi %get3A_320, %get3A_327 : vector<16xi32>
          %swap3A_329 = arith.constant 96 : index
          %swap3A_330 = tpu.vector_load %arg10[%swap3A_329] {strides = array<i32>} : memref<272xi32, #tpu.memory_space<vmem>>, vector<16xi32>,
          %swap3A_331 = vector.shape_cast %swap3A_330 : vector<16xi32> to vector<16xi32>
          %swap3A_332 = vector.shape_cast %add3A_328 : vector<16xi32> to vector<16xi32>
          tpu.vector_store %arg10[%swap3A_329], %swap3A_332 {strides = array<i32>} : memref<272xi32, #tpu.memory_space<vmem>>, vector<16xi32>,
          %get3A_333 = arith.constant 112 : index
          %get3A_334 = tpu.vector_load %arg10[%get3A_333] {strides = array<i32>} : memref<272xi32, #tpu.memory_space<vmem>>, vector<16xi32>,
          %get3A_335 = vector.shape_cast %get3A_334 : vector<16xi32> to vector<16xi32>
          %mul3A_336 = arith.constant 256 : i32
          %mul3A_337 = arith.muli %scan3A_226, %mul3A_336 : i32
          %add3A_338 = arith.constant 112 : i32
          %add3A_339 = arith.addi %mul3A_337, %add3A_338 : i32
          %get3A_340 = arith.index_cast %add3A_339 : i32 to index
          %get3A_341 = tpu.vector_load %arg9[%get3A_340] {strides = array<i32>} : memref<4096xi32, #tpu.memory_space<vmem>>, vector<16xi32>,
          %get3A_342 = vector.shape_cast %get3A_341 : vector<16xi32> to vector<16xi32>
          %add3A_343 = arith.addi %get3A_335, %get3A_342 : vector<16xi32>
          %swap3A_344 = arith.constant 112 : index
          %swap3A_345 = tpu.vector_load %arg10[%swap3A_344] {strides = array<i32>} : memref<272xi32, #tpu.memory_space<vmem>>, vector<16xi32>,
          %swap3A_346 = vector.shape_cast %swap3A_345 : vector<16xi32> to vector<16xi32>
          %swap3A_347 = vector.shape_cast %add3A_343 : vector<16xi32> to vector<16xi32>
          tpu.vector_store %arg10[%swap3A_344], %swap3A_347 {strides = array<i32>} : memref<272xi32, #tpu.memory_space<vmem>>, vector<16xi32>,
          %get3A_348 = arith.constant 128 : index
          %get3A_349 = tpu.vector_load %arg10[%get3A_348] {strides = array<i32>} : memref<272xi32, #tpu.memory_space<vmem>>, vector<16xi32>,
          %get3A_350 = vector.shape_cast %get3A_349 : vector<16xi32> to vector<16xi32>
          %mul3A_351 = arith.constant 256 : i32
          %mul3A_352 = arith.muli %scan3A_226, %mul3A_351 : i32
          %add3A_353 = arith.constant 128 : i32
          %add3A_354 = arith.addi %mul3A_352, %add3A_353 : i32
          %get3A_355 = arith.index_cast %add3A_354 : i32 to index
          %get3A_356 = tpu.vector_load %arg9[%get3A_355] {strides = array<i32>} : memref<4096xi32, #tpu.memory_space<vmem>>, vector<16xi32>,
          %get3A_357 = vector.shape_cast %get3A_356 : vector<16xi32> to vector<16xi32>
          %add3A_358 = arith.addi %get3A_350, %get3A_357 : vector<16xi32>
          %swap3A_359 = arith.constant 128 : index
          %swap3A_360 = tpu.vector_load %arg10[%swap3A_359] {strides = array<i32>} : memref<272xi32, #tpu.memory_space<vmem>>, vector<16xi32>,
          %swap3A_361 = vector.shape_cast %swap3A_360 : vector<16xi32> to vector<16xi32>
          %swap3A_362 = vector.shape_cast %add3A_358 : vector<16xi32> to vector<16xi32>
          tpu.vector_store %arg10[%swap3A_359], %swap3A_362 {strides = array<i32>} : memref<272xi32, #tpu.memory_space<vmem>>, vector<16xi32>,
          %get3A_363 = arith.constant 144 : index
          %get3A_364 = tpu.vector_load %arg10[%get3A_363] {strides = array<i32>} : memref<272xi32, #tpu.memory_space<vmem>>, vector<16xi32>,
          %get3A_365 = vector.shape_cast %get3A_364 : vector<16xi32> to vector<16xi32>
          %mul3A_366 = arith.constant 256 : i32
          %mul3A_367 = arith.muli %scan3A_226, %mul3A_366 : i32
          %add3A_368 = arith.constant 144 : i32
          %add3A_369 = arith.addi %mul3A_367, %add3A_368 : i32
          %get3A_370 = arith.index_cast %add3A_369 : i32 to index
          %get3A_371 = tpu.vector_load %arg9[%get3A_370] {strides = array<i32>} : memref<4096xi32, #tpu.memory_space<vmem>>, vector<16xi32>,
          %get3A_372 = vector.shape_cast %get3A_371 : vector<16xi32> to vector<16xi32>
          %add3A_373 = arith.addi %get3A_365, %get3A_372 : vector<16xi32>
          %swap3A_374 = arith.constant 144 : index
          %swap3A_375 = tpu.vector_load %arg10[%swap3A_374] {strides = array<i32>} : memref<272xi32, #tpu.memory_space<vmem>>, vector<16xi32>,
          %swap3A_376 = vector.shape_cast %swap3A_375 : vector<16xi32> to vector<16xi32>
          %swap3A_377 = vector.shape_cast %add3A_373 : vector<16xi32> to vector<16xi32>
          tpu.vector_store %arg10[%swap3A_374], %swap3A_377 {strides = array<i32>} : memref<272xi32, #tpu.memory_space<vmem>>, vector<16xi32>,
          %get3A_378 = arith.constant 160 : index
          %get3A_379 = tpu.vector_load %arg10[%get3A_378] {strides = array<i32>} : memref<272xi32, #tpu.memory_space<vmem>>, vector<16xi32>,
          %get3A_380 = vector.shape_cast %get3A_379 : vector<16xi32> to vector<16xi32>
          %mul3A_381 = arith.constant 256 : i32
          %mul3A_382 = arith.muli %scan3A_226, %mul3A_381 : i32
          %add3A_383 = arith.constant 160 : i32
          %add3A_384 = arith.addi %mul3A_382, %add3A_383 : i32
          %get3A_385 = arith.index_cast %add3A_384 : i32 to index
          %get3A_386 = tpu.vector_load %arg9[%get3A_385] {strides = array<i32>} : memref<4096xi32, #tpu.memory_space<vmem>>, vector<16xi32>,
          %get3A_387 = vector.shape_cast %get3A_386 : vector<16xi32> to vector<16xi32>
          %add3A_388 = arith.addi %get3A_380, %get3A_387 : vector<16xi32>
          %swap3A_389 = arith.constant 160 : index
          %swap3A_390 = tpu.vector_load %arg10[%swap3A_389] {strides = array<i32>} : memref<272xi32, #tpu.memory_space<vmem>>, vector<16xi32>,
          %swap3A_391 = vector.shape_cast %swap3A_390 : vector<16xi32> to vector<16xi32>
          %swap3A_392 = vector.shape_cast %add3A_388 : vector<16xi32> to vector<16xi32>
          tpu.vector_store %arg10[%swap3A_389], %swap3A_392 {strides = array<i32>} : memref<272xi32, #tpu.memory_space<vmem>>, vector<16xi32>,
          %get3A_393 = arith.constant 176 : index
          %get3A_394 = tpu.vector_load %arg10[%get3A_393] {strides = array<i32>} : memref<272xi32, #tpu.memory_space<vmem>>, vector<16xi32>,
          %get3A_395 = vector.shape_cast %get3A_394 : vector<16xi32> to vector<16xi32>
          %mul3A_396 = arith.constant 256 : i32
          %mul3A_397 = arith.muli %scan3A_226, %mul3A_396 : i32
          %add3A_398 = arith.constant 176 : i32
          %add3A_399 = arith.addi %mul3A_397, %add3A_398 : i32
          %get3A_400 = arith.index_cast %add3A_399 : i32 to index
          %get3A_401 = tpu.vector_load %arg9[%get3A_400] {strides = array<i32>} : memref<4096xi32, #tpu.memory_space<vmem>>, vector<16xi32>,
          %get3A_402 = vector.shape_cast %get3A_401 : vector<16xi32> to vector<16xi32>
          %add3A_403 = arith.addi %get3A_395, %get3A_402 : vector<16xi32>
          %swap3A_404 = arith.constant 176 : index
          %swap3A_405 = tpu.vector_load %arg10[%swap3A_404] {strides = array<i32>} : memref<272xi32, #tpu.memory_space<vmem>>, vector<16xi32>,
          %swap3A_406 = vector.shape_cast %swap3A_405 : vector<16xi32> to vector<16xi32>
          %swap3A_407 = vector.shape_cast %add3A_403 : vector<16xi32> to vector<16xi32>
          tpu.vector_store %arg10[%swap3A_404], %swap3A_407 {strides = array<i32>} : memref<272xi32, #tpu.memory_space<vmem>>, vector<16xi32>,
          %get3A_408 = arith.constant 192 : index
          %get3A_409 = tpu.vector_load %arg10[%get3A_408] {strides = array<i32>} : memref<272xi32, #tpu.memory_space<vmem>>, vector<16xi32>,
          %get3A_410 = vector.shape_cast %get3A_409 : vector<16xi32> to vector<16xi32>
          %mul3A_411 = arith.constant 256 : i32
          %mul3A_412 = arith.muli %scan3A_226, %mul3A_411 : i32
          %add3A_413 = arith.constant 192 : i32
          %add3A_414 = arith.addi %mul3A_412, %add3A_413 : i32
          %get3A_415 = arith.index_cast %add3A_414 : i32 to index
          %get3A_416 = tpu.vector_load %arg9[%get3A_415] {strides = array<i32>} : memref<4096xi32, #tpu.memory_space<vmem>>, vector<16xi32>,
          %get3A_417 = vector.shape_cast %get3A_416 : vector<16xi32> to vector<16xi32>
          %add3A_418 = arith.addi %get3A_410, %get3A_417 : vector<16xi32>
          %swap3A_419 = arith.constant 192 : index
          %swap3A_420 = tpu.vector_load %arg10[%swap3A_419] {strides = array<i32>} : memref<272xi32, #tpu.memory_space<vmem>>, vector<16xi32>,
          %swap3A_421 = vector.shape_cast %swap3A_420 : vector<16xi32> to vector<16xi32>
          %swap3A_422 = vector.shape_cast %add3A_418 : vector<16xi32> to vector<16xi32>
          tpu.vector_store %arg10[%swap3A_419], %swap3A_422 {strides = array<i32>} : memref<272xi32, #tpu.memory_space<vmem>>, vector<16xi32>,
          %get3A_423 = arith.constant 208 : index
          %get3A_424 = tpu.vector_load %arg10[%get3A_423] {strides = array<i32>} : memref<272xi32, #tpu.memory_space<vmem>>, vector<16xi32>,
          %get3A_425 = vector.shape_cast %get3A_424 : vector<16xi32> to vector<16xi32>
          %mul3A_426 = arith.constant 256 : i32
          %mul3A_427 = arith.muli %scan3A_226, %mul3A_426 : i32
          %add3A_428 = arith.constant 208 : i32
          %add3A_429 = arith.addi %mul3A_427, %add3A_428 : i32
          %get3A_430 = arith.index_cast %add3A_429 : i32 to index
          %get3A_431 = tpu.vector_load %arg9[%get3A_430] {strides = array<i32>} : memref<4096xi32, #tpu.memory_space<vmem>>, vector<16xi32>,
          %get3A_432 = vector.shape_cast %get3A_431 : vector<16xi32> to vector<16xi32>
          %add3A_433 = arith.addi %get3A_425, %get3A_432 : vector<16xi32>
          %swap3A_434 = arith.constant 208 : index
          %swap3A_435 = tpu.vector_load %arg10[%swap3A_434] {strides = array<i32>} : memref<272xi32, #tpu.memory_space<vmem>>, vector<16xi32>,
          %swap3A_436 = vector.shape_cast %swap3A_435 : vector<16xi32> to vector<16xi32>
          %swap3A_437 = vector.shape_cast %add3A_433 : vector<16xi32> to vector<16xi32>
          tpu.vector_store %arg10[%swap3A_434], %swap3A_437 {strides = array<i32>} : memref<272xi32, #tpu.memory_space<vmem>>, vector<16xi32>,
          %get3A_438 = arith.constant 224 : index
          %get3A_439 = tpu.vector_load %arg10[%get3A_438] {strides = array<i32>} : memref<272xi32, #tpu.memory_space<vmem>>, vector<16xi32>,
          %get3A_440 = vector.shape_cast %get3A_439 : vector<16xi32> to vector<16xi32>
          %mul3A_441 = arith.constant 256 : i32
          %mul3A_442 = arith.muli %scan3A_226, %mul3A_441 : i32
          %add3A_443 = arith.constant 224 : i32
          %add3A_444 = arith.addi %mul3A_442, %add3A_443 : i32
          %get3A_445 = arith.index_cast %add3A_444 : i32 to index
          %get3A_446 = tpu.vector_load %arg9[%get3A_445] {strides = array<i32>} : memref<4096xi32, #tpu.memory_space<vmem>>, vector<16xi32>,
          %get3A_447 = vector.shape_cast %get3A_446 : vector<16xi32> to vector<16xi32>
          %add3A_448 = arith.addi %get3A_440, %get3A_447 : vector<16xi32>
          %swap3A_449 = arith.constant 224 : index
          %swap3A_450 = tpu.vector_load %arg10[%swap3A_449] {strides = array<i32>} : memref<272xi32, #tpu.memory_space<vmem>>, vector<16xi32>,
          %swap3A_451 = vector.shape_cast %swap3A_450 : vector<16xi32> to vector<16xi32>
          %swap3A_452 = vector.shape_cast %add3A_448 : vector<16xi32> to vector<16xi32>
          tpu.vector_store %arg10[%swap3A_449], %swap3A_452 {strides = array<i32>} : memref<272xi32, #tpu.memory_space<vmem>>, vector<16xi32>,
          %get3A_453 = arith.constant 240 : index
          %get3A_454 = tpu.vector_load %arg10[%get3A_453] {strides = array<i32>} : memref<272xi32, #tpu.memory_space<vmem>>, vector<16xi32>,
          %get3A_455 = vector.shape_cast %get3A_454 : vector<16xi32> to vector<16xi32>
          %mul3A_456 = arith.constant 256 : i32
          %mul3A_457 = arith.muli %scan3A_226, %mul3A_456 : i32
          %add3A_458 = arith.constant 240 : i32
          %add3A_459 = arith.addi %mul3A_457, %add3A_458 : i32
          %get3A_460 = arith.index_cast %add3A_459 : i32 to index
          %get3A_461 = tpu.vector_load %arg9[%get3A_460] {strides = array<i32>} : memref<4096xi32, #tpu.memory_space<vmem>>, vector<16xi32>,
          %get3A_462 = vector.shape_cast %get3A_461 : vector<16xi32> to vector<16xi32>
          %add3A_463 = arith.addi %get3A_455, %get3A_462 : vector<16xi32>
          %swap3A_464 = arith.constant 240 : index
          %swap3A_465 = tpu.vector_load %arg10[%swap3A_464] {strides = array<i32>} : memref<272xi32, #tpu.memory_space<vmem>>, vector<16xi32>,
          %swap3A_466 = vector.shape_cast %swap3A_465 : vector<16xi32> to vector<16xi32>
          %swap3A_467 = vector.shape_cast %add3A_463 : vector<16xi32> to vector<16xi32>
          tpu.vector_store %arg10[%swap3A_464], %swap3A_467 {strides = array<i32>} : memref<272xi32, #tpu.memory_space<vmem>>, vector<16xi32>,
        } else {
        }
      }
      %scan3A_214 = arith.constant 16 : i32
      %scan3A_215 = arith.constant 0 : i32
      %scan3A_216 = arith.constant 0 : i32
      %scan3A_217 = arith.constant 64 : i32
      %scan3A_218 = arith.addi %scan3A_216, %scan3A_217 : i32
      %scan3A_219 = arith.constant 1 : i32
      scf.for %scan3A_226 = %scan3A_216 to %scan3A_218 step %scan3A_219  : i32 {
        %get3A = arith.index_cast %scan3A_226 : i32 to index
        %get3A_227 = tpu.vector_load %arg6[%get3A] {strides = array<i32>} : memref<80xi32, #tpu.memory_space<vmem>>, vector<16xi32>,
        %get3A_228 = vector.shape_cast %get3A_227 : vector<16xi32> to vector<16xi32>
        %slice3A = vector.extract_strided_slice %get3A_228 {offsets = [0], sizes = [1], strides = [1]} : vector<16xi32> to vector<1xi32>
        %squeeze3A = vector.extract %slice3A[0] : i32 from vector<1xi32>
        %get3A_229 = arith.index_cast %squeeze3A : i32 to index
        %get3A_230 = tpu.vector_load %arg10[%get3A_229] {strides = array<i32>} : memref<272xi32, #tpu.memory_space<vmem>>, vector<16xi32>,
        %get3A_231 = vector.shape_cast %get3A_230 : vector<16xi32> to vector<16xi32>
        %slice3A_232 = vector.extract_strided_slice %get3A_231 {offsets = [0], sizes = [1], strides = [1]} : vector<16xi32> to vector<1xi32>
        %squeeze3A_233 = vector.extract %slice3A_232[0] : i32 from vector<1xi32>
        %get3A_234 = arith.index_cast %scan3A_226 : i32 to index
        %get3A_235 = tpu.vector_load %arg8[%get3A_234] {strides = array<i32>} : memref<80xi32, #tpu.memory_space<vmem>>, vector<16xi32>,
        %get3A_236 = vector.shape_cast %get3A_235 : vector<16xi32> to vector<16xi32>
        %slice3A_237 = vector.extract_strided_slice %get3A_236 {offsets = [0], sizes = [1], strides = [1]} : vector<16xi32> to vector<1xi32>
        %squeeze3A_238 = vector.extract %slice3A_237[0] : i32 from vector<1xi32>
        %add3A = arith.addi %squeeze3A_238, %squeeze3A_233 : i32
        %broadcast_in_dim3A_239 = vector.broadcast %add3A : i32 to vector<16xi32>
        %select_n3A = arith.select %eq3A_5, %broadcast_in_dim3A_239, %get3A_236 : vector<16xi1>, vector<16xi32>
        %swap3A_240 = arith.index_cast %scan3A_226 : i32 to index
        %swap3A_241 = tpu.vector_load %arg8[%swap3A_240] {strides = array<i32>} : memref<80xi32, #tpu.memory_space<vmem>>, vector<16xi32>,
        %swap3A_242 = vector.shape_cast %swap3A_241 : vector<16xi32> to vector<16xi32>
        %swap3A_243 = vector.shape_cast %select_n3A : vector<16xi32> to vector<16xi32>
        tpu.vector_store %arg8[%swap3A_240], %swap3A_243 {strides = array<i32>} : memref<80xi32, #tpu.memory_space<vmem>>, vector<16xi32>,
      }
      %scan3A_220 = arith.constant 64 : i32
      "tpu.region"() ({
        %run_scoped3A = tpu.sem_alloc : memref<!tpu.dma_semaphore, #tpu.memory_space<semaphore_mem>>
        %dma_start3A = arith.constant 0 : i32
        %dma_start3A_226 = tpu.memref_slice %arg8[%dma_start3A] : memref<80xi32, #tpu.memory_space<vmem>> -> memref<64xi32, #tpu.memory_space<vmem>>
        %dma_start3A_227 = tpu.memref_slice %arg4[%mul3A_2] : memref<1024xi32, #tpu.memory_space<hbm>> -> memref<64xi32, #tpu.memory_space<hbm>>
        %dma_start3A_228 = tpu.memref_slice %arg4[%mul3A_2] : memref<1024xi32, #tpu.memory_space<hbm>> -> memref<64xi32, #tpu.memory_space<hbm>>
        %dma_start3A_229 = arith.constant 0 : i32
        %dma_start3A_230 = tpu.memref_slice %arg8[%dma_start3A_229] : memref<80xi32, #tpu.memory_space<vmem>> -> memref<64xi32, #tpu.memory_space<vmem>>
        tpu.enqueue_dma source(%dma_start3A_230 : memref<64xi32, #tpu.memory_space<vmem>>) target(%dma_start3A_228 : memref<64xi32, #tpu.memory_space<hbm>>) target_semaphore(%run_scoped3A : memref<!tpu.dma_semaphore, #tpu.memory_space<semaphore_mem>>)
        %dma_wait3A = arith.constant 0 : i32
        %dma_wait3A_231 = tpu.memref_slice %arg8[%dma_wait3A] : memref<80xi32, #tpu.memory_space<vmem>> -> memref<64xi32, #tpu.memory_space<vmem>>
        %dma_wait3A_232 = tpu.memref_slice %arg4[%mul3A_2] : memref<1024xi32, #tpu.memory_space<hbm>> -> memref<64xi32, #tpu.memory_space<hbm>>
        %dma_wait3A_233 = tpu.memref_slice %arg4[%mul3A_2] : memref<1024xi32, #tpu.memory_space<hbm>> -> memref<64xi32, #tpu.memory_space<hbm>>
        %dma_wait3A_234 = arith.constant 0 : i32
        %dma_wait3A_235 = tpu.memref_slice %arg8[%dma_wait3A_234] : memref<80xi32, #tpu.memory_space<vmem>> -> memref<64xi32, #tpu.memory_space<vmem>>
        tpu.wait_dma2 semaphore(%run_scoped3A : memref<!tpu.dma_semaphore, #tpu.memory_space<semaphore_mem>>) src(%dma_wait3A_235 : memref<64xi32, #tpu.memory_space<vmem>>) dst(%dma_wait3A_233 : memref<64xi32, #tpu.memory_space<hbm>>)
        tpu.yield
      }) : () -> ()
      %eq3A_221 = arith.constant 15 : i32
      %eq3A_222 = arith.cmpi eq, %arg1, %eq3A_221 : i32
      %convert_element_type3A_223 = arith.extui %eq3A_222 : i1 to i32
      %cond3A_224 = arith.constant 0 : i32
      %cond3A_225 = arith.cmpi ne, %convert_element_type3A_223, %cond3A_224 : i32
      scf.if %cond3A_225 {
        %get3A = arith.constant 0 : index
        %get3A_226 = tpu.vector_load %arg10[%get3A] {strides = array<i32>} : memref<272xi32, #tpu.memory_space<vmem>>, vector<16xi32>,
        %get3A_227 = vector.shape_cast %get3A_226 : vector<16xi32> to vector<16xi32>
        %get3A_228 = arith.constant 0 : index
        %get3A_229 = tpu.vector_load %arg7[%get3A_228] {strides = array<i32>} : memref<272xi32, #tpu.memory_space<vmem>>, vector<16xi32>,
        %get3A_230 = vector.shape_cast %get3A_229 : vector<16xi32> to vector<16xi32>
        %add3A = arith.addi %get3A_227, %get3A_230 : vector<16xi32>
        %swap3A_231 = arith.constant 0 : index
        %swap3A_232 = tpu.vector_load %arg10[%swap3A_231] {strides = array<i32>} : memref<272xi32, #tpu.memory_space<vmem>>, vector<16xi32>,
        %swap3A_233 = vector.shape_cast %swap3A_232 : vector<16xi32> to vector<16xi32>
        %swap3A_234 = vector.shape_cast %add3A : vector<16xi32> to vector<16xi32>
        tpu.vector_store %arg10[%swap3A_231], %swap3A_234 {strides = array<i32>} : memref<272xi32, #tpu.memory_space<vmem>>, vector<16xi32>,
        %get3A_235 = arith.constant 16 : index
        %get3A_236 = tpu.vector_load %arg10[%get3A_235] {strides = array<i32>} : memref<272xi32, #tpu.memory_space<vmem>>, vector<16xi32>,
        %get3A_237 = vector.shape_cast %get3A_236 : vector<16xi32> to vector<16xi32>
        %get3A_238 = arith.constant 16 : index
        %get3A_239 = tpu.vector_load %arg7[%get3A_238] {strides = array<i32>} : memref<272xi32, #tpu.memory_space<vmem>>, vector<16xi32>,
        %get3A_240 = vector.shape_cast %get3A_239 : vector<16xi32> to vector<16xi32>
        %add3A_241 = arith.addi %get3A_237, %get3A_240 : vector<16xi32>
        %swap3A_242 = arith.constant 16 : index
        %swap3A_243 = tpu.vector_load %arg10[%swap3A_242] {strides = array<i32>} : memref<272xi32, #tpu.memory_space<vmem>>, vector<16xi32>,
        %swap3A_244 = vector.shape_cast %swap3A_243 : vector<16xi32> to vector<16xi32>
        %swap3A_245 = vector.shape_cast %add3A_241 : vector<16xi32> to vector<16xi32>
        tpu.vector_store %arg10[%swap3A_242], %swap3A_245 {strides = array<i32>} : memref<272xi32, #tpu.memory_space<vmem>>, vector<16xi32>,
        %get3A_246 = arith.constant 32 : index
        %get3A_247 = tpu.vector_load %arg10[%get3A_246] {strides = array<i32>} : memref<272xi32, #tpu.memory_space<vmem>>, vector<16xi32>,
        %get3A_248 = vector.shape_cast %get3A_247 : vector<16xi32> to vector<16xi32>
        %get3A_249 = arith.constant 32 : index
        %get3A_250 = tpu.vector_load %arg7[%get3A_249] {strides = array<i32>} : memref<272xi32, #tpu.memory_space<vmem>>, vector<16xi32>,
        %get3A_251 = vector.shape_cast %get3A_250 : vector<16xi32> to vector<16xi32>
        %add3A_252 = arith.addi %get3A_248, %get3A_251 : vector<16xi32>
        %swap3A_253 = arith.constant 32 : index
        %swap3A_254 = tpu.vector_load %arg10[%swap3A_253] {strides = array<i32>} : memref<272xi32, #tpu.memory_space<vmem>>, vector<16xi32>,
        %swap3A_255 = vector.shape_cast %swap3A_254 : vector<16xi32> to vector<16xi32>
        %swap3A_256 = vector.shape_cast %add3A_252 : vector<16xi32> to vector<16xi32>
        tpu.vector_store %arg10[%swap3A_253], %swap3A_256 {strides = array<i32>} : memref<272xi32, #tpu.memory_space<vmem>>, vector<16xi32>,
        %get3A_257 = arith.constant 48 : index
        %get3A_258 = tpu.vector_load %arg10[%get3A_257] {strides = array<i32>} : memref<272xi32, #tpu.memory_space<vmem>>, vector<16xi32>,
        %get3A_259 = vector.shape_cast %get3A_258 : vector<16xi32> to vector<16xi32>
        %get3A_260 = arith.constant 48 : index
        %get3A_261 = tpu.vector_load %arg7[%get3A_260] {strides = array<i32>} : memref<272xi32, #tpu.memory_space<vmem>>, vector<16xi32>,
        %get3A_262 = vector.shape_cast %get3A_261 : vector<16xi32> to vector<16xi32>
        %add3A_263 = arith.addi %get3A_259, %get3A_262 : vector<16xi32>
        %swap3A_264 = arith.constant 48 : index
        %swap3A_265 = tpu.vector_load %arg10[%swap3A_264] {strides = array<i32>} : memref<272xi32, #tpu.memory_space<vmem>>, vector<16xi32>,
        %swap3A_266 = vector.shape_cast %swap3A_265 : vector<16xi32> to vector<16xi32>
        %swap3A_267 = vector.shape_cast %add3A_263 : vector<16xi32> to vector<16xi32>
        tpu.vector_store %arg10[%swap3A_264], %swap3A_267 {strides = array<i32>} : memref<272xi32, #tpu.memory_space<vmem>>, vector<16xi32>,
        %get3A_268 = arith.constant 64 : index
        %get3A_269 = tpu.vector_load %arg10[%get3A_268] {strides = array<i32>} : memref<272xi32, #tpu.memory_space<vmem>>, vector<16xi32>,
        %get3A_270 = vector.shape_cast %get3A_269 : vector<16xi32> to vector<16xi32>
        %get3A_271 = arith.constant 64 : index
        %get3A_272 = tpu.vector_load %arg7[%get3A_271] {strides = array<i32>} : memref<272xi32, #tpu.memory_space<vmem>>, vector<16xi32>,
        %get3A_273 = vector.shape_cast %get3A_272 : vector<16xi32> to vector<16xi32>
        %add3A_274 = arith.addi %get3A_270, %get3A_273 : vector<16xi32>
        %swap3A_275 = arith.constant 64 : index
        %swap3A_276 = tpu.vector_load %arg10[%swap3A_275] {strides = array<i32>} : memref<272xi32, #tpu.memory_space<vmem>>, vector<16xi32>,
        %swap3A_277 = vector.shape_cast %swap3A_276 : vector<16xi32> to vector<16xi32>
        %swap3A_278 = vector.shape_cast %add3A_274 : vector<16xi32> to vector<16xi32>
        tpu.vector_store %arg10[%swap3A_275], %swap3A_278 {strides = array<i32>} : memref<272xi32, #tpu.memory_space<vmem>>, vector<16xi32>,
        %get3A_279 = arith.constant 80 : index
        %get3A_280 = tpu.vector_load %arg10[%get3A_279] {strides = array<i32>} : memref<272xi32, #tpu.memory_space<vmem>>, vector<16xi32>,
        %get3A_281 = vector.shape_cast %get3A_280 : vector<16xi32> to vector<16xi32>
        %get3A_282 = arith.constant 80 : index
        %get3A_283 = tpu.vector_load %arg7[%get3A_282] {strides = array<i32>} : memref<272xi32, #tpu.memory_space<vmem>>, vector<16xi32>,
        %get3A_284 = vector.shape_cast %get3A_283 : vector<16xi32> to vector<16xi32>
        %add3A_285 = arith.addi %get3A_281, %get3A_284 : vector<16xi32>
        %swap3A_286 = arith.constant 80 : index
        %swap3A_287 = tpu.vector_load %arg10[%swap3A_286] {strides = array<i32>} : memref<272xi32, #tpu.memory_space<vmem>>, vector<16xi32>,
        %swap3A_288 = vector.shape_cast %swap3A_287 : vector<16xi32> to vector<16xi32>
        %swap3A_289 = vector.shape_cast %add3A_285 : vector<16xi32> to vector<16xi32>
        tpu.vector_store %arg10[%swap3A_286], %swap3A_289 {strides = array<i32>} : memref<272xi32, #tpu.memory_space<vmem>>, vector<16xi32>,
        %get3A_290 = arith.constant 96 : index
        %get3A_291 = tpu.vector_load %arg10[%get3A_290] {strides = array<i32>} : memref<272xi32, #tpu.memory_space<vmem>>, vector<16xi32>,
        %get3A_292 = vector.shape_cast %get3A_291 : vector<16xi32> to vector<16xi32>
        %get3A_293 = arith.constant 96 : index
        %get3A_294 = tpu.vector_load %arg7[%get3A_293] {strides = array<i32>} : memref<272xi32, #tpu.memory_space<vmem>>, vector<16xi32>,
        %get3A_295 = vector.shape_cast %get3A_294 : vector<16xi32> to vector<16xi32>
        %add3A_296 = arith.addi %get3A_292, %get3A_295 : vector<16xi32>
        %swap3A_297 = arith.constant 96 : index
        %swap3A_298 = tpu.vector_load %arg10[%swap3A_297] {strides = array<i32>} : memref<272xi32, #tpu.memory_space<vmem>>, vector<16xi32>,
        %swap3A_299 = vector.shape_cast %swap3A_298 : vector<16xi32> to vector<16xi32>
        %swap3A_300 = vector.shape_cast %add3A_296 : vector<16xi32> to vector<16xi32>
        tpu.vector_store %arg10[%swap3A_297], %swap3A_300 {strides = array<i32>} : memref<272xi32, #tpu.memory_space<vmem>>, vector<16xi32>,
        %get3A_301 = arith.constant 112 : index
        %get3A_302 = tpu.vector_load %arg10[%get3A_301] {strides = array<i32>} : memref<272xi32, #tpu.memory_space<vmem>>, vector<16xi32>,
        %get3A_303 = vector.shape_cast %get3A_302 : vector<16xi32> to vector<16xi32>
        %get3A_304 = arith.constant 112 : index
        %get3A_305 = tpu.vector_load %arg7[%get3A_304] {strides = array<i32>} : memref<272xi32, #tpu.memory_space<vmem>>, vector<16xi32>,
        %get3A_306 = vector.shape_cast %get3A_305 : vector<16xi32> to vector<16xi32>
        %add3A_307 = arith.addi %get3A_303, %get3A_306 : vector<16xi32>
        %swap3A_308 = arith.constant 112 : index
        %swap3A_309 = tpu.vector_load %arg10[%swap3A_308] {strides = array<i32>} : memref<272xi32, #tpu.memory_space<vmem>>, vector<16xi32>,
        %swap3A_310 = vector.shape_cast %swap3A_309 : vector<16xi32> to vector<16xi32>
        %swap3A_311 = vector.shape_cast %add3A_307 : vector<16xi32> to vector<16xi32>
        tpu.vector_store %arg10[%swap3A_308], %swap3A_311 {strides = array<i32>} : memref<272xi32, #tpu.memory_space<vmem>>, vector<16xi32>,
        %get3A_312 = arith.constant 128 : index
        %get3A_313 = tpu.vector_load %arg10[%get3A_312] {strides = array<i32>} : memref<272xi32, #tpu.memory_space<vmem>>, vector<16xi32>,
        %get3A_314 = vector.shape_cast %get3A_313 : vector<16xi32> to vector<16xi32>
        %get3A_315 = arith.constant 128 : index
        %get3A_316 = tpu.vector_load %arg7[%get3A_315] {strides = array<i32>} : memref<272xi32, #tpu.memory_space<vmem>>, vector<16xi32>,
        %get3A_317 = vector.shape_cast %get3A_316 : vector<16xi32> to vector<16xi32>
        %add3A_318 = arith.addi %get3A_314, %get3A_317 : vector<16xi32>
        %swap3A_319 = arith.constant 128 : index
        %swap3A_320 = tpu.vector_load %arg10[%swap3A_319] {strides = array<i32>} : memref<272xi32, #tpu.memory_space<vmem>>, vector<16xi32>,
        %swap3A_321 = vector.shape_cast %swap3A_320 : vector<16xi32> to vector<16xi32>
        %swap3A_322 = vector.shape_cast %add3A_318 : vector<16xi32> to vector<16xi32>
        tpu.vector_store %arg10[%swap3A_319], %swap3A_322 {strides = array<i32>} : memref<272xi32, #tpu.memory_space<vmem>>, vector<16xi32>,
        %get3A_323 = arith.constant 144 : index
        %get3A_324 = tpu.vector_load %arg10[%get3A_323] {strides = array<i32>} : memref<272xi32, #tpu.memory_space<vmem>>, vector<16xi32>,
        %get3A_325 = vector.shape_cast %get3A_324 : vector<16xi32> to vector<16xi32>
        %get3A_326 = arith.constant 144 : index
        %get3A_327 = tpu.vector_load %arg7[%get3A_326] {strides = array<i32>} : memref<272xi32, #tpu.memory_space<vmem>>, vector<16xi32>,
        %get3A_328 = vector.shape_cast %get3A_327 : vector<16xi32> to vector<16xi32>
        %add3A_329 = arith.addi %get3A_325, %get3A_328 : vector<16xi32>
        %swap3A_330 = arith.constant 144 : index
        %swap3A_331 = tpu.vector_load %arg10[%swap3A_330] {strides = array<i32>} : memref<272xi32, #tpu.memory_space<vmem>>, vector<16xi32>,
        %swap3A_332 = vector.shape_cast %swap3A_331 : vector<16xi32> to vector<16xi32>
        %swap3A_333 = vector.shape_cast %add3A_329 : vector<16xi32> to vector<16xi32>
        tpu.vector_store %arg10[%swap3A_330], %swap3A_333 {strides = array<i32>} : memref<272xi32, #tpu.memory_space<vmem>>, vector<16xi32>,
        %get3A_334 = arith.constant 160 : index
        %get3A_335 = tpu.vector_load %arg10[%get3A_334] {strides = array<i32>} : memref<272xi32, #tpu.memory_space<vmem>>, vector<16xi32>,
        %get3A_336 = vector.shape_cast %get3A_335 : vector<16xi32> to vector<16xi32>
        %get3A_337 = arith.constant 160 : index
        %get3A_338 = tpu.vector_load %arg7[%get3A_337] {strides = array<i32>} : memref<272xi32, #tpu.memory_space<vmem>>, vector<16xi32>,
        %get3A_339 = vector.shape_cast %get3A_338 : vector<16xi32> to vector<16xi32>
        %add3A_340 = arith.addi %get3A_336, %get3A_339 : vector<16xi32>
        %swap3A_341 = arith.constant 160 : index
        %swap3A_342 = tpu.vector_load %arg10[%swap3A_341] {strides = array<i32>} : memref<272xi32, #tpu.memory_space<vmem>>, vector<16xi32>,
        %swap3A_343 = vector.shape_cast %swap3A_342 : vector<16xi32> to vector<16xi32>
        %swap3A_344 = vector.shape_cast %add3A_340 : vector<16xi32> to vector<16xi32>
        tpu.vector_store %arg10[%swap3A_341], %swap3A_344 {strides = array<i32>} : memref<272xi32, #tpu.memory_space<vmem>>, vector<16xi32>,
        %get3A_345 = arith.constant 176 : index
        %get3A_346 = tpu.vector_load %arg10[%get3A_345] {strides = array<i32>} : memref<272xi32, #tpu.memory_space<vmem>>, vector<16xi32>,
        %get3A_347 = vector.shape_cast %get3A_346 : vector<16xi32> to vector<16xi32>
        %get3A_348 = arith.constant 176 : index
        %get3A_349 = tpu.vector_load %arg7[%get3A_348] {strides = array<i32>} : memref<272xi32, #tpu.memory_space<vmem>>, vector<16xi32>,
        %get3A_350 = vector.shape_cast %get3A_349 : vector<16xi32> to vector<16xi32>
        %add3A_351 = arith.addi %get3A_347, %get3A_350 : vector<16xi32>
        %swap3A_352 = arith.constant 176 : index
        %swap3A_353 = tpu.vector_load %arg10[%swap3A_352] {strides = array<i32>} : memref<272xi32, #tpu.memory_space<vmem>>, vector<16xi32>,
        %swap3A_354 = vector.shape_cast %swap3A_353 : vector<16xi32> to vector<16xi32>
        %swap3A_355 = vector.shape_cast %add3A_351 : vector<16xi32> to vector<16xi32>
        tpu.vector_store %arg10[%swap3A_352], %swap3A_355 {strides = array<i32>} : memref<272xi32, #tpu.memory_space<vmem>>, vector<16xi32>,
        %get3A_356 = arith.constant 192 : index
        %get3A_357 = tpu.vector_load %arg10[%get3A_356] {strides = array<i32>} : memref<272xi32, #tpu.memory_space<vmem>>, vector<16xi32>,
        %get3A_358 = vector.shape_cast %get3A_357 : vector<16xi32> to vector<16xi32>
        %get3A_359 = arith.constant 192 : index
        %get3A_360 = tpu.vector_load %arg7[%get3A_359] {strides = array<i32>} : memref<272xi32, #tpu.memory_space<vmem>>, vector<16xi32>,
        %get3A_361 = vector.shape_cast %get3A_360 : vector<16xi32> to vector<16xi32>
        %add3A_362 = arith.addi %get3A_358, %get3A_361 : vector<16xi32>
        %swap3A_363 = arith.constant 192 : index
        %swap3A_364 = tpu.vector_load %arg10[%swap3A_363] {strides = array<i32>} : memref<272xi32, #tpu.memory_space<vmem>>, vector<16xi32>,
        %swap3A_365 = vector.shape_cast %swap3A_364 : vector<16xi32> to vector<16xi32>
        %swap3A_366 = vector.shape_cast %add3A_362 : vector<16xi32> to vector<16xi32>
        tpu.vector_store %arg10[%swap3A_363], %swap3A_366 {strides = array<i32>} : memref<272xi32, #tpu.memory_space<vmem>>, vector<16xi32>,
        %get3A_367 = arith.constant 208 : index
        %get3A_368 = tpu.vector_load %arg10[%get3A_367] {strides = array<i32>} : memref<272xi32, #tpu.memory_space<vmem>>, vector<16xi32>,
        %get3A_369 = vector.shape_cast %get3A_368 : vector<16xi32> to vector<16xi32>
        %get3A_370 = arith.constant 208 : index
        %get3A_371 = tpu.vector_load %arg7[%get3A_370] {strides = array<i32>} : memref<272xi32, #tpu.memory_space<vmem>>, vector<16xi32>,
        %get3A_372 = vector.shape_cast %get3A_371 : vector<16xi32> to vector<16xi32>
        %add3A_373 = arith.addi %get3A_369, %get3A_372 : vector<16xi32>
        %swap3A_374 = arith.constant 208 : index
        %swap3A_375 = tpu.vector_load %arg10[%swap3A_374] {strides = array<i32>} : memref<272xi32, #tpu.memory_space<vmem>>, vector<16xi32>,
        %swap3A_376 = vector.shape_cast %swap3A_375 : vector<16xi32> to vector<16xi32>
        %swap3A_377 = vector.shape_cast %add3A_373 : vector<16xi32> to vector<16xi32>
        tpu.vector_store %arg10[%swap3A_374], %swap3A_377 {strides = array<i32>} : memref<272xi32, #tpu.memory_space<vmem>>, vector<16xi32>,
        %get3A_378 = arith.constant 224 : index
        %get3A_379 = tpu.vector_load %arg10[%get3A_378] {strides = array<i32>} : memref<272xi32, #tpu.memory_space<vmem>>, vector<16xi32>,
        %get3A_380 = vector.shape_cast %get3A_379 : vector<16xi32> to vector<16xi32>
        %get3A_381 = arith.constant 224 : index
        %get3A_382 = tpu.vector_load %arg7[%get3A_381] {strides = array<i32>} : memref<272xi32, #tpu.memory_space<vmem>>, vector<16xi32>,
        %get3A_383 = vector.shape_cast %get3A_382 : vector<16xi32> to vector<16xi32>
        %add3A_384 = arith.addi %get3A_380, %get3A_383 : vector<16xi32>
        %swap3A_385 = arith.constant 224 : index
        %swap3A_386 = tpu.vector_load %arg10[%swap3A_385] {strides = array<i32>} : memref<272xi32, #tpu.memory_space<vmem>>, vector<16xi32>,
        %swap3A_387 = vector.shape_cast %swap3A_386 : vector<16xi32> to vector<16xi32>
        %swap3A_388 = vector.shape_cast %add3A_384 : vector<16xi32> to vector<16xi32>
        tpu.vector_store %arg10[%swap3A_385], %swap3A_388 {strides = array<i32>} : memref<272xi32, #tpu.memory_space<vmem>>, vector<16xi32>,
        %get3A_389 = arith.constant 240 : index
        %get3A_390 = tpu.vector_load %arg10[%get3A_389] {strides = array<i32>} : memref<272xi32, #tpu.memory_space<vmem>>, vector<16xi32>,
        %get3A_391 = vector.shape_cast %get3A_390 : vector<16xi32> to vector<16xi32>
        %get3A_392 = arith.constant 240 : index
        %get3A_393 = tpu.vector_load %arg7[%get3A_392] {strides = array<i32>} : memref<272xi32, #tpu.memory_space<vmem>>, vector<16xi32>,
        %get3A_394 = vector.shape_cast %get3A_393 : vector<16xi32> to vector<16xi32>
        %add3A_395 = arith.addi %get3A_391, %get3A_394 : vector<16xi32>
        %swap3A_396 = arith.constant 240 : index
        %swap3A_397 = tpu.vector_load %arg10[%swap3A_396] {strides = array<i32>} : memref<272xi32, #tpu.memory_space<vmem>>, vector<16xi32>,
        %swap3A_398 = vector.shape_cast %swap3A_397 : vector<16xi32> to vector<16xi32>
        %swap3A_399 = vector.shape_cast %add3A_395 : vector<16xi32> to vector<16xi32>
        tpu.vector_store %arg10[%swap3A_396], %swap3A_399 {strides = array<i32>} : memref<272xi32, #tpu.memory_space<vmem>>, vector<16xi32>,
        "tpu.region"() ({
          %run_scoped3A = tpu.sem_alloc : memref<!tpu.dma_semaphore, #tpu.memory_space<semaphore_mem>>
          %dma_start3A = arith.constant 0 : i32
          %dma_start3A_400 = tpu.memref_slice %arg10[%dma_start3A] : memref<272xi32, #tpu.memory_space<vmem>> -> memref<256xi32, #tpu.memory_space<vmem>>
          %dma_start3A_401 = arith.constant 0 : i32
          %dma_start3A_402 = tpu.memref_slice %arg10[%dma_start3A_401] : memref<272xi32, #tpu.memory_space<vmem>> -> memref<256xi32, #tpu.memory_space<vmem>>
          tpu.enqueue_dma source(%dma_start3A_402 : memref<256xi32, #tpu.memory_space<vmem>>) target(%arg3 : memref<256xi32, #tpu.memory_space<hbm>>) target_semaphore(%run_scoped3A : memref<!tpu.dma_semaphore, #tpu.memory_space<semaphore_mem>>)
          %dma_wait3A = arith.constant 0 : i32
          %dma_wait3A_403 = tpu.memref_slice %arg10[%dma_wait3A] : memref<272xi32, #tpu.memory_space<vmem>> -> memref<256xi32, #tpu.memory_space<vmem>>
          %dma_wait3A_404 = arith.constant 0 : i32
          %dma_wait3A_405 = tpu.memref_slice %arg10[%dma_wait3A_404] : memref<272xi32, #tpu.memory_space<vmem>> -> memref<256xi32, #tpu.memory_space<vmem>>
          tpu.wait_dma2 semaphore(%run_scoped3A : memref<!tpu.dma_semaphore, #tpu.memory_space<semaphore_mem>>) src(%dma_wait3A_405 : memref<256xi32, #tpu.memory_space<vmem>>) dst(%arg3 : memref<256xi32, #tpu.memory_space<hbm>>)
          tpu.yield
        }) : () -> ()
      } else {
      }
    } else {
    }
    return
  }
}

module attributes {stable_mosaic.version = 14 : i64} {
  func.func @_loss_kernel(%arg0: memref<1024x128xf32, #tpu.memory_space<vmem>>, %arg1: memref<1024x128xbf16, #tpu.memory_space<vmem>>, %arg2: memref<16384x128xbf16, #tpu.memory_space<vmem>>, %arg3: memref<1024x1xi32, #tpu.memory_space<vmem>>, %arg4: memref<1x256xf32, #tpu.memory_space<vmem>>, %arg5: memref<1024x1xi32, #tpu.memory_space<vmem>>, %arg6: memref<1x1xf32, #tpu.memory_space<vmem>>) attributes {dimension_semantics = [], scalar_prefetch = 0 : i64, scratch_operands = 0 : i64, tpu.core_type = #tpu.core_type<tc>} {
    %get3A = arith.constant 0 : index
    %get3A_0 = arith.constant 0 : index
    %get3A_1 = vector.load %arg0[%get3A, %get3A_0] : memref<1024x128xf32, #tpu.memory_space<vmem>>, vector<1024x128xf32>
    %get3A_2 = arith.constant 0 : index
    %get3A_3 = arith.constant 0 : index
    %get3A_4 = vector.load %arg1[%get3A_2, %get3A_3] : memref<1024x128xbf16, #tpu.memory_space<vmem>>, vector<1024x128xbf16>
    %get3A_5 = arith.constant 0 : index
    %get3A_6 = arith.constant 0 : index
    %get3A_7 = vector.load %arg3[%get3A_5, %get3A_6] : memref<1024x1xi32, #tpu.memory_space<vmem>>, vector<1024x1xi32>
    %get3A_8 = arith.constant 0 : index
    %get3A_9 = arith.constant 0 : index
    %get3A_10 = vector.load %arg4[%get3A_8, %get3A_9] : memref<1x256xf32, #tpu.memory_space<vmem>>, vector<1x256xf32>
    %get3A_11 = arith.constant 0 : index
    %get3A_12 = arith.constant 0 : index
    %get3A_13 = vector.load %arg5[%get3A_11, %get3A_12] : memref<1024x1xi32, #tpu.memory_space<vmem>>, vector<1024x1xi32>
    %mul3A = arith.mulf %get3A_1, %get3A_1 : vector<1024x128xf32>
    %reduce_sum3A = arith.constant dense<0.000000e+00> : vector<1024xf32>
    %reduce_sum3A_14 = vector.multi_reduction <add>, %mul3A, %reduce_sum3A [1] : vector<1024x128xf32> to vector<1024xf32>
    %broadcast_in_dim3A = vector.shape_cast %reduce_sum3A_14 : vector<1024xf32> to vector<1024x1xf32>
    %sqrt3A = math.sqrt %broadcast_in_dim3A : vector<1024x1xf32>
    %max3A = arith.constant 9.99999996E-13 : f32
    %max3A_15 = vector.broadcast %max3A : f32 to vector<1024x1xf32>
    %max3A_16 = arith.maximumf %sqrt3A, %max3A_15 : vector<1024x1xf32>
    %div3A = vector.broadcast %max3A_16 : vector<1024x1xf32> to vector<1024x128xf32>
    %div3A_17 = arith.divf %get3A_1, %div3A : vector<1024x128xf32>
    %convert_element_type3A = arith.truncf %div3A_17 : vector<1024x128xf32> to vector<1024x128xbf16>
    %iota3A = tpu.iota {dimensions = array<i32: 1>} : vector<1024x256xi32>
    %eq3A = vector.broadcast %get3A_7 : vector<1024x1xi32> to vector<1024x256xi32>
    %eq3A_18 = arith.cmpi eq, %eq3A, %iota3A : vector<1024x256xi32>
    %convert_element_type3A_19 = arith.extui %eq3A_18 : vector<1024x256xi1> to vector<1024x256xi32>
    %convert_element_type3A_20 = arith.sitofp %convert_element_type3A_19 : vector<1024x256xi32> to vector<1024x256xf32>
    %convert_element_type3A_21 = arith.truncf %convert_element_type3A_20 : vector<1024x256xf32> to vector<1024x256xbf16>
    %convert_element_type3A_22 = arith.extf %convert_element_type3A_21 : vector<1024x256xbf16> to vector<1024x256xf32>
    %lt3A = arith.constant 64 : i32
    %lt3A_23 = vector.broadcast %lt3A : i32 to vector<1024x1xi32>
    %lt3A_24 = arith.cmpi slt, %get3A_13, %lt3A_23 : vector<1024x1xi32>
    %convert_element_type3A_25 = arith.extui %lt3A_24 : vector<1024x1xi1> to vector<1024x1xi32>
    %convert_element_type3A_26 = arith.sitofp %convert_element_type3A_25 : vector<1024x1xi32> to vector<1024x1xf32>
    %convert_element_type3A_27 = arith.truncf %convert_element_type3A_26 : vector<1024x1xf32> to vector<1024x1xbf16>
    %jit3A = arith.constant 4 : i32
    %div3A_28 = vector.broadcast %jit3A : i32 to vector<1024x1xi32>
    %div3A_29 = arith.divsi %get3A_7, %div3A_28 : vector<1024x1xi32>
    %sign3A = arith.constant 0 : i32
    %sign3A_30 = vector.broadcast %sign3A : i32 to vector<1024x1xi32>
    %sign3A_31 = arith.cmpi sgt, %get3A_7, %sign3A_30 : vector<1024x1xi32>
    %sign3A_32 = arith.extui %sign3A_31 : vector<1024x1xi1> to vector<1024x1xi32>
    %sign3A_33 = arith.constant 0 : i32
    %sign3A_34 = vector.broadcast %sign3A_33 : i32 to vector<1024x1xi32>
    %sign3A_35 = arith.cmpi slt, %get3A_7, %sign3A_34 : vector<1024x1xi32>
    %sign3A_36 = arith.extui %sign3A_35 : vector<1024x1xi1> to vector<1024x1xi32>
    %sign3A_37 = arith.subi %sign3A_32, %sign3A_36 : vector<1024x1xi32>
    %sign3A_38 = arith.constant 0 : i32
    %sign3A_39 = arith.cmpi sgt, %jit3A, %sign3A_38 : i32
    %sign3A_40 = arith.extui %sign3A_39 : i1 to i32
    %sign3A_41 = arith.constant 0 : i32
    %sign3A_42 = arith.cmpi slt, %jit3A, %sign3A_41 : i32
    %sign3A_43 = arith.extui %sign3A_42 : i1 to i32
    %sign3A_44 = arith.subi %sign3A_40, %sign3A_43 : i32
    %ne3A = vector.broadcast %sign3A_44 : i32 to vector<1024x1xi32>
    %ne3A_45 = arith.cmpi ne, %sign3A_37, %ne3A : vector<1024x1xi32>
    %rem3A = vector.broadcast %jit3A : i32 to vector<1024x1xi32>
    %rem3A_46 = arith.remsi %get3A_7, %rem3A : vector<1024x1xi32>
    %ne3A_47 = arith.constant 0 : i32
    %ne3A_48 = vector.broadcast %ne3A_47 : i32 to vector<1024x1xi32>
    %ne3A_49 = arith.cmpi ne, %rem3A_46, %ne3A_48 : vector<1024x1xi32>
    %and3A = arith.andi %ne3A_45, %ne3A_49 : vector<1024x1xi1>
    %sub3A = arith.constant 1 : i32
    %sub3A_50 = vector.broadcast %sub3A : i32 to vector<1024x1xi32>
    %sub3A_51 = arith.subi %div3A_29, %sub3A_50 : vector<1024x1xi32>
    %select_n3A = arith.select %and3A, %sub3A_51, %div3A_29 : vector<1024x1xi1>, vector<1024x1xi32>
    %mul3A_52 = arith.constant 4 : i32
    %mul3A_53 = vector.broadcast %mul3A_52 : i32 to vector<1024x1xi32>
    %mul3A_54 = arith.muli %select_n3A, %mul3A_53 : vector<1024x1xi32>
    %sub3A_55 = arith.subi %get3A_7, %mul3A_54 : vector<1024x1xi32>
    %lt3A_56 = arith.constant 64 : i32
    %lt3A_57 = vector.broadcast %lt3A_56 : i32 to vector<1024x1xi32>
    %lt3A_58 = arith.cmpi slt, %get3A_13, %lt3A_57 : vector<1024x1xi32>
    %mul3A_59 = arith.constant 64 : i32
    %mul3A_60 = vector.broadcast %mul3A_59 : i32 to vector<1024x1xi32>
    %mul3A_61 = arith.muli %sub3A_55, %mul3A_60 : vector<1024x1xi32>
    %add3A = arith.addi %mul3A_61, %get3A_13 : vector<1024x1xi32>
    %jit3A_62 = arith.constant 256 : i32
    %broadcast_in_dim3A_63 = vector.broadcast %jit3A_62 : i32 to vector<1024x1xi32>
    %select_n3A_64 = arith.select %lt3A_58, %add3A, %broadcast_in_dim3A_63 : vector<1024x1xi1>, vector<1024x1xi32>
    %iota3A_65 = tpu.iota {dimensions = array<i32: 1>} : vector<1024x256xi32>
    %eq3A_66 = vector.broadcast %select_n3A_64 : vector<1024x1xi32> to vector<1024x256xi32>
    %eq3A_67 = arith.cmpi eq, %eq3A_66, %iota3A_65 : vector<1024x256xi32>
    %convert_element_type3A_68 = arith.extui %eq3A_67 : vector<1024x256xi1> to vector<1024x256xi32>
    %convert_element_type3A_69 = arith.sitofp %convert_element_type3A_68 : vector<1024x256xi32> to vector<1024x256xf32>
    %convert_element_type3A_70 = arith.truncf %convert_element_type3A_69 : vector<1024x256xf32> to vector<1024x256xbf16>
    %mul3A_71 = vector.broadcast %convert_element_type3A_27 : vector<1024x1xbf16> to vector<1024x256xbf16>
    %mul3A_72 = arith.mulf %convert_element_type3A_21, %mul3A_71 : vector<1024x256xbf16>
    %dot_general3A = arith.constant dense<0.000000e+00> : vector<1024x1024xf32>
    %dot_general3A_73 = tpu.matmul %convert_element_type3A, %get3A_4, %dot_general3A {dimension_numbers = #tpu.dot_dimension_numbers<[1], [1], [0], [0], [0, 0, 1, 0], [], []>, transpose_lhs_hint = false} : vector<1024x128xbf16>, vector<1024x128xbf16>, vector<1024x1024xf32> -> vector<1024x1024xf32>
    %convert_element_type3A_74 = arith.truncf %dot_general3A_73 : vector<1024x1024xf32> to vector<1024x1024xbf16>
    %exp3A = math.exp %convert_element_type3A_74 : vector<1024x1024xbf16>
    %dot_general3A_75 = arith.constant dense<0.000000e+00> : vector<1024x1xf32>
    %dot_general3A_76 = tpu.matmul %exp3A, %convert_element_type3A_27, %dot_general3A_75 {dimension_numbers = #tpu.dot_dimension_numbers<[1], [0], [0], [1], [0, 0, 1, 1], [], []>, transpose_lhs_hint = false} : vector<1024x1024xbf16>, vector<1024x1xbf16>, vector<1024x1xf32> -> vector<1024x1xf32>
    %dot_general3A_77 = arith.constant dense<0.000000e+00> : vector<1024x256xf32>
    %dot_general3A_78 = tpu.matmul %exp3A, %convert_element_type3A_70, %dot_general3A_77 {dimension_numbers = #tpu.dot_dimension_numbers<[1], [0], [0], [1], [0, 0, 1, 1], [], []>, transpose_lhs_hint = false} : vector<1024x1024xbf16>, vector<1024x256xbf16>, vector<1024x256xf32> -> vector<1024x256xf32>
    %dot_general3A_79 = arith.constant dense<0.000000e+00> : vector<1024x256xf32>
    %dot_general3A_80 = tpu.matmul %convert_element_type3A_74, %mul3A_72, %dot_general3A_79 {dimension_numbers = #tpu.dot_dimension_numbers<[1], [0], [0], [1], [0, 0, 1, 1], [], []>, transpose_lhs_hint = false} : vector<1024x1024xbf16>, vector<1024x256xbf16>, vector<1024x256xf32> -> vector<1024x256xf32>
    %iota3A_81 = tpu.iota {dimensions = array<i32: 0>} : vector<2048x1xi32>
    %jit3A_82 = arith.constant 64 : i32
    %div3A_83 = vector.broadcast %jit3A_82 : i32 to vector<2048x1xi32>
    %div3A_84 = arith.divsi %iota3A_81, %div3A_83 : vector<2048x1xi32>
    %sign3A_85 = arith.constant 0 : i32
    %sign3A_86 = vector.broadcast %sign3A_85 : i32 to vector<2048x1xi32>
    %sign3A_87 = arith.cmpi sgt, %iota3A_81, %sign3A_86 : vector<2048x1xi32>
    %sign3A_88 = arith.extui %sign3A_87 : vector<2048x1xi1> to vector<2048x1xi32>
    %sign3A_89 = arith.constant 0 : i32
    %sign3A_90 = vector.broadcast %sign3A_89 : i32 to vector<2048x1xi32>
    %sign3A_91 = arith.cmpi slt, %iota3A_81, %sign3A_90 : vector<2048x1xi32>
    %sign3A_92 = arith.extui %sign3A_91 : vector<2048x1xi1> to vector<2048x1xi32>
    %sign3A_93 = arith.subi %sign3A_88, %sign3A_92 : vector<2048x1xi32>
    %sign3A_94 = arith.constant 0 : i32
    %sign3A_95 = arith.cmpi sgt, %jit3A_82, %sign3A_94 : i32
    %sign3A_96 = arith.extui %sign3A_95 : i1 to i32
    %sign3A_97 = arith.constant 0 : i32
    %sign3A_98 = arith.cmpi slt, %jit3A_82, %sign3A_97 : i32
    %sign3A_99 = arith.extui %sign3A_98 : i1 to i32
    %sign3A_100 = arith.subi %sign3A_96, %sign3A_99 : i32
    %ne3A_101 = vector.broadcast %sign3A_100 : i32 to vector<2048x1xi32>
    %ne3A_102 = arith.cmpi ne, %sign3A_93, %ne3A_101 : vector<2048x1xi32>
    %rem3A_103 = vector.broadcast %jit3A_82 : i32 to vector<2048x1xi32>
    %rem3A_104 = arith.remsi %iota3A_81, %rem3A_103 : vector<2048x1xi32>
    %ne3A_105 = arith.constant 0 : i32
    %ne3A_106 = vector.broadcast %ne3A_105 : i32 to vector<2048x1xi32>
    %ne3A_107 = arith.cmpi ne, %rem3A_104, %ne3A_106 : vector<2048x1xi32>
    %and3A_108 = arith.andi %ne3A_102, %ne3A_107 : vector<2048x1xi1>
    %sub3A_109 = arith.constant 1 : i32
    %sub3A_110 = vector.broadcast %sub3A_109 : i32 to vector<2048x1xi32>
    %sub3A_111 = arith.subi %div3A_84, %sub3A_110 : vector<2048x1xi32>
    %select_n3A_112 = arith.select %and3A_108, %sub3A_111, %div3A_84 : vector<2048x1xi1>, vector<2048x1xi32>
    %mul3A_113 = arith.constant 64 : i32
    %mul3A_114 = vector.broadcast %mul3A_113 : i32 to vector<2048x1xi32>
    %mul3A_115 = arith.muli %select_n3A_112, %mul3A_114 : vector<2048x1xi32>
    %sub3A_116 = arith.subi %iota3A_81, %mul3A_115 : vector<2048x1xi32>
    %jit3A_117 = arith.constant 4 : i32
    %div3A_118 = vector.broadcast %jit3A_117 : i32 to vector<2048x1xi32>
    %div3A_119 = arith.divsi %select_n3A_112, %div3A_118 : vector<2048x1xi32>
    %sign3A_120 = arith.constant 0 : i32
    %sign3A_121 = vector.broadcast %sign3A_120 : i32 to vector<2048x1xi32>
    %sign3A_122 = arith.cmpi sgt, %select_n3A_112, %sign3A_121 : vector<2048x1xi32>
    %sign3A_123 = arith.extui %sign3A_122 : vector<2048x1xi1> to vector<2048x1xi32>
    %sign3A_124 = arith.constant 0 : i32
    %sign3A_125 = vector.broadcast %sign3A_124 : i32 to vector<2048x1xi32>
    %sign3A_126 = arith.cmpi slt, %select_n3A_112, %sign3A_125 : vector<2048x1xi32>
    %sign3A_127 = arith.extui %sign3A_126 : vector<2048x1xi1> to vector<2048x1xi32>
    %sign3A_128 = arith.subi %sign3A_123, %sign3A_127 : vector<2048x1xi32>
    %sign3A_129 = arith.constant 0 : i32
    %sign3A_130 = arith.cmpi sgt, %jit3A_117, %sign3A_129 : i32
    %sign3A_131 = arith.extui %sign3A_130 : i1 to i32
    %sign3A_132 = arith.constant 0 : i32
    %sign3A_133 = arith.cmpi slt, %jit3A_117, %sign3A_132 : i32
    %sign3A_134 = arith.extui %sign3A_133 : i1 to i32
    %sign3A_135 = arith.subi %sign3A_131, %sign3A_134 : i32
    %ne3A_136 = vector.broadcast %sign3A_135 : i32 to vector<2048x1xi32>
    %ne3A_137 = arith.cmpi ne, %sign3A_128, %ne3A_136 : vector<2048x1xi32>
    %rem3A_138 = vector.broadcast %jit3A_117 : i32 to vector<2048x1xi32>
    %rem3A_139 = arith.remsi %select_n3A_112, %rem3A_138 : vector<2048x1xi32>
    %ne3A_140 = arith.constant 0 : i32
    %ne3A_141 = vector.broadcast %ne3A_140 : i32 to vector<2048x1xi32>
    %ne3A_142 = arith.cmpi ne, %rem3A_139, %ne3A_141 : vector<2048x1xi32>
    %and3A_143 = arith.andi %ne3A_137, %ne3A_142 : vector<2048x1xi1>
    %sub3A_144 = arith.constant 1 : i32
    %sub3A_145 = vector.broadcast %sub3A_144 : i32 to vector<2048x1xi32>
    %sub3A_146 = arith.subi %div3A_119, %sub3A_145 : vector<2048x1xi32>
    %select_n3A_147 = arith.select %and3A_143, %sub3A_146, %div3A_119 : vector<2048x1xi1>, vector<2048x1xi32>
    %mul3A_148 = arith.constant 4 : i32
    %mul3A_149 = vector.broadcast %mul3A_148 : i32 to vector<2048x1xi32>
    %mul3A_150 = arith.muli %select_n3A_147, %mul3A_149 : vector<2048x1xi32>
    %sub3A_151 = arith.subi %select_n3A_112, %mul3A_150 : vector<2048x1xi32>
    %iota3A_152 = tpu.iota {dimensions = array<i32: 0>} : vector<2048x32xi32>
    %jit3A_153 = arith.constant 64 : i32
    %div3A_154 = vector.broadcast %jit3A_153 : i32 to vector<2048x32xi32>
    %div3A_155 = arith.divsi %iota3A_152, %div3A_154 : vector<2048x32xi32>
    %sign3A_156 = arith.constant 0 : i32
    %sign3A_157 = vector.broadcast %sign3A_156 : i32 to vector<2048x32xi32>
    %sign3A_158 = arith.cmpi sgt, %iota3A_152, %sign3A_157 : vector<2048x32xi32>
    %sign3A_159 = arith.extui %sign3A_158 : vector<2048x32xi1> to vector<2048x32xi32>
    %sign3A_160 = arith.constant 0 : i32
    %sign3A_161 = vector.broadcast %sign3A_160 : i32 to vector<2048x32xi32>
    %sign3A_162 = arith.cmpi slt, %iota3A_152, %sign3A_161 : vector<2048x32xi32>
    %sign3A_163 = arith.extui %sign3A_162 : vector<2048x32xi1> to vector<2048x32xi32>
    %sign3A_164 = arith.subi %sign3A_159, %sign3A_163 : vector<2048x32xi32>
    %sign3A_165 = arith.constant 0 : i32
    %sign3A_166 = arith.cmpi sgt, %jit3A_153, %sign3A_165 : i32
    %sign3A_167 = arith.extui %sign3A_166 : i1 to i32
    %sign3A_168 = arith.constant 0 : i32
    %sign3A_169 = arith.cmpi slt, %jit3A_153, %sign3A_168 : i32
    %sign3A_170 = arith.extui %sign3A_169 : i1 to i32
    %sign3A_171 = arith.subi %sign3A_167, %sign3A_170 : i32
    %ne3A_172 = vector.broadcast %sign3A_171 : i32 to vector<2048x32xi32>
    %ne3A_173 = arith.cmpi ne, %sign3A_164, %ne3A_172 : vector<2048x32xi32>
    %rem3A_174 = vector.broadcast %jit3A_153 : i32 to vector<2048x32xi32>
    %rem3A_175 = arith.remsi %iota3A_152, %rem3A_174 : vector<2048x32xi32>
    %ne3A_176 = arith.constant 0 : i32
    %ne3A_177 = vector.broadcast %ne3A_176 : i32 to vector<2048x32xi32>
    %ne3A_178 = arith.cmpi ne, %rem3A_175, %ne3A_177 : vector<2048x32xi32>
    %and3A_179 = arith.andi %ne3A_173, %ne3A_178 : vector<2048x32xi1>
    %sub3A_180 = arith.constant 1 : i32
    %sub3A_181 = vector.broadcast %sub3A_180 : i32 to vector<2048x32xi32>
    %sub3A_182 = arith.subi %div3A_155, %sub3A_181 : vector<2048x32xi32>
    %select_n3A_183 = arith.select %and3A_179, %sub3A_182, %div3A_155 : vector<2048x32xi1>, vector<2048x32xi32>
    %iota3A_184 = tpu.iota {dimensions = array<i32: 1>} : vector<2048x32xi32>
    %eq3A_185 = arith.cmpi eq, %select_n3A_183, %iota3A_184 : vector<2048x32xi32>
    %convert_element_type3A_186 = arith.extui %eq3A_185 : vector<2048x32xi1> to vector<2048x32xi32>
    %convert_element_type3A_187 = arith.sitofp %convert_element_type3A_186 : vector<2048x32xi32> to vector<2048x32xf32>
    %convert_element_type3A_188 = arith.truncf %convert_element_type3A_187 : vector<2048x32xf32> to vector<2048x32xbf16>
    %convert_element_type3A_189 = arith.extui %eq3A_185 : vector<2048x32xi1> to vector<2048x32xi32>
    %convert_element_type3A_190 = arith.sitofp %convert_element_type3A_189 : vector<2048x32xi32> to vector<2048x32xf32>
    %iota3A_191 = tpu.iota {dimensions = array<i32: 1>} : vector<2048x256xi32>
    %mul3A_192 = arith.mulf %dot_general3A_80, %convert_element_type3A_22 : vector<1024x256xf32>
    %reduce_sum3A_193 = arith.constant dense<0.000000e+00> : vector<1024xf32>
    %reduce_sum3A_194 = vector.multi_reduction <add>, %mul3A_192, %reduce_sum3A_193 [1] : vector<1024x256xf32> to vector<1024xf32>
    %broadcast_in_dim3A_195 = vector.shape_cast %reduce_sum3A_194 : vector<1024xf32> to vector<1024x1xf32>
    %get3A_196 = arith.constant 0 : index
    %get3A_197 = arith.constant 0 : index
    %get3A_198 = vector.load %arg2[%get3A_196, %get3A_197] : memref<16384x128xbf16, #tpu.memory_space<vmem>>, vector<2048x128xbf16>
    %dot_general3A_199 = arith.constant dense<0.000000e+00> : vector<1024x2048xf32>
    %dot_general3A_200 = tpu.matmul %convert_element_type3A, %get3A_198, %dot_general3A_199 {dimension_numbers = #tpu.dot_dimension_numbers<[1], [1], [0], [0], [0, 0, 1, 0], [], []>, transpose_lhs_hint = false} : vector<1024x128xbf16>, vector<2048x128xbf16>, vector<1024x2048xf32> -> vector<1024x2048xf32>
    %convert_element_type3A_201 = arith.truncf %dot_general3A_200 : vector<1024x2048xf32> to vector<1024x2048xbf16>
    %exp3A_202 = math.exp %convert_element_type3A_201 : vector<1024x2048xbf16>
    %slice3A = vector.extract_strided_slice %get3A_10 {offsets = [0, 0], sizes = [1, 32], strides = [1, 1]} : vector<1x256xf32> to vector<1x32xf32>
    %dot_general3A_203 = arith.constant dense<0.000000e+00> : vector<2048x1xf32>
    %dot_general3A_204 = tpu.matmul %convert_element_type3A_190, %slice3A, %dot_general3A_203 {dimension_numbers = #tpu.dot_dimension_numbers<[1], [1], [0], [0], [0, 0, 1, 0], [], []>, transpose_lhs_hint = false} : vector<2048x32xf32>, vector<1x32xf32>, vector<2048x1xf32> -> vector<2048x1xf32>
    %convert_element_type3A_205 = arith.fptosi %dot_general3A_204 : vector<2048x1xf32> to vector<2048x1xi32>
    %add3A_206 = arith.addi %sub3A_116, %convert_element_type3A_205 : vector<2048x1xi32>
    %lt3A_207 = arith.constant 64 : i32
    %lt3A_208 = vector.broadcast %lt3A_207 : i32 to vector<2048x1xi32>
    %lt3A_209 = arith.cmpi slt, %add3A_206, %lt3A_208 : vector<2048x1xi32>
    %convert_element_type3A_210 = arith.extui %lt3A_209 : vector<2048x1xi1> to vector<2048x1xi32>
    %convert_element_type3A_211 = arith.sitofp %convert_element_type3A_210 : vector<2048x1xi32> to vector<2048x1xf32>
    %convert_element_type3A_212 = arith.truncf %convert_element_type3A_211 : vector<2048x1xf32> to vector<2048x1xbf16>
    %lt3A_213 = arith.constant 64 : i32
    %lt3A_214 = vector.broadcast %lt3A_213 : i32 to vector<2048x1xi32>
    %lt3A_215 = arith.cmpi slt, %add3A_206, %lt3A_214 : vector<2048x1xi32>
    %mul3A_216 = arith.constant 64 : i32
    %mul3A_217 = vector.broadcast %mul3A_216 : i32 to vector<2048x1xi32>
    %mul3A_218 = arith.muli %sub3A_151, %mul3A_217 : vector<2048x1xi32>
    %add3A_219 = arith.addi %mul3A_218, %add3A_206 : vector<2048x1xi32>
    %jit3A_220 = arith.constant 256 : i32
    %broadcast_in_dim3A_221 = vector.broadcast %jit3A_220 : i32 to vector<2048x1xi32>
    %select_n3A_222 = arith.select %lt3A_215, %add3A_219, %broadcast_in_dim3A_221 : vector<2048x1xi1>, vector<2048x1xi32>
    %eq3A_223 = vector.broadcast %select_n3A_222 : vector<2048x1xi32> to vector<2048x256xi32>
    %eq3A_224 = arith.cmpi eq, %eq3A_223, %iota3A_191 : vector<2048x256xi32>
    %convert_element_type3A_225 = arith.extui %eq3A_224 : vector<2048x256xi1> to vector<2048x256xi32>
    %convert_element_type3A_226 = arith.sitofp %convert_element_type3A_225 : vector<2048x256xi32> to vector<2048x256xf32>
    %convert_element_type3A_227 = arith.truncf %convert_element_type3A_226 : vector<2048x256xf32> to vector<2048x256xbf16>
    %mul3A_228 = vector.broadcast %convert_element_type3A_212 : vector<2048x1xbf16> to vector<2048x32xbf16>
    %mul3A_229 = arith.mulf %convert_element_type3A_188, %mul3A_228 : vector<2048x32xbf16>
    %dot_general3A_230 = arith.constant dense<0.000000e+00> : vector<1024x1xf32>
    %dot_general3A_231 = tpu.matmul %exp3A_202, %convert_element_type3A_212, %dot_general3A_230 {dimension_numbers = #tpu.dot_dimension_numbers<[1], [0], [0], [1], [0, 0, 1, 1], [], []>, transpose_lhs_hint = false} : vector<1024x2048xbf16>, vector<2048x1xbf16>, vector<1024x1xf32> -> vector<1024x1xf32>
    %add3A_232 = arith.addf %dot_general3A_76, %dot_general3A_231 : vector<1024x1xf32>
    %dot_general3A_233 = arith.constant dense<0.000000e+00> : vector<1024x256xf32>
    %dot_general3A_234 = tpu.matmul %exp3A_202, %convert_element_type3A_227, %dot_general3A_233 {dimension_numbers = #tpu.dot_dimension_numbers<[1], [0], [0], [1], [0, 0, 1, 1], [], []>, transpose_lhs_hint = false} : vector<1024x2048xbf16>, vector<2048x256xbf16>, vector<1024x256xf32> -> vector<1024x256xf32>
    %add3A_235 = arith.addf %dot_general3A_78, %dot_general3A_234 : vector<1024x256xf32>
    %dot_general3A_236 = arith.constant dense<0.000000e+00> : vector<1024x32xf32>
    %dot_general3A_237 = tpu.matmul %convert_element_type3A_201, %mul3A_229, %dot_general3A_236 {dimension_numbers = #tpu.dot_dimension_numbers<[1], [0], [0], [1], [0, 0, 1, 1], [], []>, transpose_lhs_hint = false} : vector<1024x2048xbf16>, vector<2048x32xbf16>, vector<1024x32xf32> -> vector<1024x32xf32>
    %slice3A_238 = vector.extract_strided_slice %convert_element_type3A_22 {offsets = [0, 0], sizes = [1024, 32], strides = [1, 1]} : vector<1024x256xf32> to vector<1024x32xf32>
    %mul3A_239 = arith.mulf %dot_general3A_237, %slice3A_238 : vector<1024x32xf32>
    %reduce_sum3A_240 = arith.constant dense<0.000000e+00> : vector<1024xf32>
    %reduce_sum3A_241 = vector.multi_reduction <add>, %mul3A_239, %reduce_sum3A_240 [1] : vector<1024x32xf32> to vector<1024xf32>
    %broadcast_in_dim3A_242 = vector.shape_cast %reduce_sum3A_241 : vector<1024xf32> to vector<1024x1xf32>
    %add3A_243 = arith.addf %broadcast_in_dim3A_195, %broadcast_in_dim3A_242 : vector<1024x1xf32>
    %get3A_244 = arith.constant 2048 : index
    %get3A_245 = arith.constant 0 : index
    %get3A_246 = vector.load %arg2[%get3A_244, %get3A_245] : memref<16384x128xbf16, #tpu.memory_space<vmem>>, vector<2048x128xbf16>
    %dot_general3A_247 = arith.constant dense<0.000000e+00> : vector<1024x2048xf32>
    %dot_general3A_248 = tpu.matmul %convert_element_type3A, %get3A_246, %dot_general3A_247 {dimension_numbers = #tpu.dot_dimension_numbers<[1], [1], [0], [0], [0, 0, 1, 0], [], []>, transpose_lhs_hint = false} : vector<1024x128xbf16>, vector<2048x128xbf16>, vector<1024x2048xf32> -> vector<1024x2048xf32>
    %convert_element_type3A_249 = arith.truncf %dot_general3A_248 : vector<1024x2048xf32> to vector<1024x2048xbf16>
    %exp3A_250 = math.exp %convert_element_type3A_249 : vector<1024x2048xbf16>
    %slice3A_251 = vector.extract_strided_slice %get3A_10 {offsets = [0, 32], sizes = [1, 32], strides = [1, 1]} : vector<1x256xf32> to vector<1x32xf32>
    %dot_general3A_252 = arith.constant dense<0.000000e+00> : vector<2048x1xf32>
    %dot_general3A_253 = tpu.matmul %convert_element_type3A_190, %slice3A_251, %dot_general3A_252 {dimension_numbers = #tpu.dot_dimension_numbers<[1], [1], [0], [0], [0, 0, 1, 0], [], []>, transpose_lhs_hint = false} : vector<2048x32xf32>, vector<1x32xf32>, vector<2048x1xf32> -> vector<2048x1xf32>
    %convert_element_type3A_254 = arith.fptosi %dot_general3A_253 : vector<2048x1xf32> to vector<2048x1xi32>
    %add3A_255 = arith.addi %sub3A_116, %convert_element_type3A_254 : vector<2048x1xi32>
    %lt3A_256 = arith.constant 64 : i32
    %lt3A_257 = vector.broadcast %lt3A_256 : i32 to vector<2048x1xi32>
    %lt3A_258 = arith.cmpi slt, %add3A_255, %lt3A_257 : vector<2048x1xi32>
    %convert_element_type3A_259 = arith.extui %lt3A_258 : vector<2048x1xi1> to vector<2048x1xi32>
    %convert_element_type3A_260 = arith.sitofp %convert_element_type3A_259 : vector<2048x1xi32> to vector<2048x1xf32>
    %convert_element_type3A_261 = arith.truncf %convert_element_type3A_260 : vector<2048x1xf32> to vector<2048x1xbf16>
    %lt3A_262 = arith.constant 64 : i32
    %lt3A_263 = vector.broadcast %lt3A_262 : i32 to vector<2048x1xi32>
    %lt3A_264 = arith.cmpi slt, %add3A_255, %lt3A_263 : vector<2048x1xi32>
    %mul3A_265 = arith.constant 64 : i32
    %mul3A_266 = vector.broadcast %mul3A_265 : i32 to vector<2048x1xi32>
    %mul3A_267 = arith.muli %sub3A_151, %mul3A_266 : vector<2048x1xi32>
    %add3A_268 = arith.addi %mul3A_267, %add3A_255 : vector<2048x1xi32>
    %jit3A_269 = arith.constant 256 : i32
    %broadcast_in_dim3A_270 = vector.broadcast %jit3A_269 : i32 to vector<2048x1xi32>
    %select_n3A_271 = arith.select %lt3A_264, %add3A_268, %broadcast_in_dim3A_270 : vector<2048x1xi1>, vector<2048x1xi32>
    %eq3A_272 = vector.broadcast %select_n3A_271 : vector<2048x1xi32> to vector<2048x256xi32>
    %eq3A_273 = arith.cmpi eq, %eq3A_272, %iota3A_191 : vector<2048x256xi32>
    %convert_element_type3A_274 = arith.extui %eq3A_273 : vector<2048x256xi1> to vector<2048x256xi32>
    %convert_element_type3A_275 = arith.sitofp %convert_element_type3A_274 : vector<2048x256xi32> to vector<2048x256xf32>
    %convert_element_type3A_276 = arith.truncf %convert_element_type3A_275 : vector<2048x256xf32> to vector<2048x256xbf16>
    %mul3A_277 = vector.broadcast %convert_element_type3A_261 : vector<2048x1xbf16> to vector<2048x32xbf16>
    %mul3A_278 = arith.mulf %convert_element_type3A_188, %mul3A_277 : vector<2048x32xbf16>
    %dot_general3A_279 = arith.constant dense<0.000000e+00> : vector<1024x1xf32>
    %dot_general3A_280 = tpu.matmul %exp3A_250, %convert_element_type3A_261, %dot_general3A_279 {dimension_numbers = #tpu.dot_dimension_numbers<[1], [0], [0], [1], [0, 0, 1, 1], [], []>, transpose_lhs_hint = false} : vector<1024x2048xbf16>, vector<2048x1xbf16>, vector<1024x1xf32> -> vector<1024x1xf32>
    %add3A_281 = arith.addf %add3A_232, %dot_general3A_280 : vector<1024x1xf32>
    %dot_general3A_282 = arith.constant dense<0.000000e+00> : vector<1024x256xf32>
    %dot_general3A_283 = tpu.matmul %exp3A_250, %convert_element_type3A_276, %dot_general3A_282 {dimension_numbers = #tpu.dot_dimension_numbers<[1], [0], [0], [1], [0, 0, 1, 1], [], []>, transpose_lhs_hint = false} : vector<1024x2048xbf16>, vector<2048x256xbf16>, vector<1024x256xf32> -> vector<1024x256xf32>
    %add3A_284 = arith.addf %add3A_235, %dot_general3A_283 : vector<1024x256xf32>
    %dot_general3A_285 = arith.constant dense<0.000000e+00> : vector<1024x32xf32>
    %dot_general3A_286 = tpu.matmul %convert_element_type3A_249, %mul3A_278, %dot_general3A_285 {dimension_numbers = #tpu.dot_dimension_numbers<[1], [0], [0], [1], [0, 0, 1, 1], [], []>, transpose_lhs_hint = false} : vector<1024x2048xbf16>, vector<2048x32xbf16>, vector<1024x32xf32> -> vector<1024x32xf32>
    %slice3A_287 = vector.extract_strided_slice %convert_element_type3A_22 {offsets = [0, 32], sizes = [1024, 32], strides = [1, 1]} : vector<1024x256xf32> to vector<1024x32xf32>
    %mul3A_288 = arith.mulf %dot_general3A_286, %slice3A_287 : vector<1024x32xf32>
    %reduce_sum3A_289 = arith.constant dense<0.000000e+00> : vector<1024xf32>
    %reduce_sum3A_290 = vector.multi_reduction <add>, %mul3A_288, %reduce_sum3A_289 [1] : vector<1024x32xf32> to vector<1024xf32>
    %broadcast_in_dim3A_291 = vector.shape_cast %reduce_sum3A_290 : vector<1024xf32> to vector<1024x1xf32>
    %add3A_292 = arith.addf %add3A_243, %broadcast_in_dim3A_291 : vector<1024x1xf32>
    %get3A_293 = arith.constant 4096 : index
    %get3A_294 = arith.constant 0 : index
    %get3A_295 = vector.load %arg2[%get3A_293, %get3A_294] : memref<16384x128xbf16, #tpu.memory_space<vmem>>, vector<2048x128xbf16>
    %dot_general3A_296 = arith.constant dense<0.000000e+00> : vector<1024x2048xf32>
    %dot_general3A_297 = tpu.matmul %convert_element_type3A, %get3A_295, %dot_general3A_296 {dimension_numbers = #tpu.dot_dimension_numbers<[1], [1], [0], [0], [0, 0, 1, 0], [], []>, transpose_lhs_hint = false} : vector<1024x128xbf16>, vector<2048x128xbf16>, vector<1024x2048xf32> -> vector<1024x2048xf32>
    %convert_element_type3A_298 = arith.truncf %dot_general3A_297 : vector<1024x2048xf32> to vector<1024x2048xbf16>
    %exp3A_299 = math.exp %convert_element_type3A_298 : vector<1024x2048xbf16>
    %slice3A_300 = vector.extract_strided_slice %get3A_10 {offsets = [0, 64], sizes = [1, 32], strides = [1, 1]} : vector<1x256xf32> to vector<1x32xf32>
    %dot_general3A_301 = arith.constant dense<0.000000e+00> : vector<2048x1xf32>
    %dot_general3A_302 = tpu.matmul %convert_element_type3A_190, %slice3A_300, %dot_general3A_301 {dimension_numbers = #tpu.dot_dimension_numbers<[1], [1], [0], [0], [0, 0, 1, 0], [], []>, transpose_lhs_hint = false} : vector<2048x32xf32>, vector<1x32xf32>, vector<2048x1xf32> -> vector<2048x1xf32>
    %convert_element_type3A_303 = arith.fptosi %dot_general3A_302 : vector<2048x1xf32> to vector<2048x1xi32>
    %add3A_304 = arith.addi %sub3A_116, %convert_element_type3A_303 : vector<2048x1xi32>
    %lt3A_305 = arith.constant 64 : i32
    %lt3A_306 = vector.broadcast %lt3A_305 : i32 to vector<2048x1xi32>
    %lt3A_307 = arith.cmpi slt, %add3A_304, %lt3A_306 : vector<2048x1xi32>
    %convert_element_type3A_308 = arith.extui %lt3A_307 : vector<2048x1xi1> to vector<2048x1xi32>
    %convert_element_type3A_309 = arith.sitofp %convert_element_type3A_308 : vector<2048x1xi32> to vector<2048x1xf32>
    %convert_element_type3A_310 = arith.truncf %convert_element_type3A_309 : vector<2048x1xf32> to vector<2048x1xbf16>
    %lt3A_311 = arith.constant 64 : i32
    %lt3A_312 = vector.broadcast %lt3A_311 : i32 to vector<2048x1xi32>
    %lt3A_313 = arith.cmpi slt, %add3A_304, %lt3A_312 : vector<2048x1xi32>
    %mul3A_314 = arith.constant 64 : i32
    %mul3A_315 = vector.broadcast %mul3A_314 : i32 to vector<2048x1xi32>
    %mul3A_316 = arith.muli %sub3A_151, %mul3A_315 : vector<2048x1xi32>
    %add3A_317 = arith.addi %mul3A_316, %add3A_304 : vector<2048x1xi32>
    %jit3A_318 = arith.constant 256 : i32
    %broadcast_in_dim3A_319 = vector.broadcast %jit3A_318 : i32 to vector<2048x1xi32>
    %select_n3A_320 = arith.select %lt3A_313, %add3A_317, %broadcast_in_dim3A_319 : vector<2048x1xi1>, vector<2048x1xi32>
    %eq3A_321 = vector.broadcast %select_n3A_320 : vector<2048x1xi32> to vector<2048x256xi32>
    %eq3A_322 = arith.cmpi eq, %eq3A_321, %iota3A_191 : vector<2048x256xi32>
    %convert_element_type3A_323 = arith.extui %eq3A_322 : vector<2048x256xi1> to vector<2048x256xi32>
    %convert_element_type3A_324 = arith.sitofp %convert_element_type3A_323 : vector<2048x256xi32> to vector<2048x256xf32>
    %convert_element_type3A_325 = arith.truncf %convert_element_type3A_324 : vector<2048x256xf32> to vector<2048x256xbf16>
    %mul3A_326 = vector.broadcast %convert_element_type3A_310 : vector<2048x1xbf16> to vector<2048x32xbf16>
    %mul3A_327 = arith.mulf %convert_element_type3A_188, %mul3A_326 : vector<2048x32xbf16>
    %dot_general3A_328 = arith.constant dense<0.000000e+00> : vector<1024x1xf32>
    %dot_general3A_329 = tpu.matmul %exp3A_299, %convert_element_type3A_310, %dot_general3A_328 {dimension_numbers = #tpu.dot_dimension_numbers<[1], [0], [0], [1], [0, 0, 1, 1], [], []>, transpose_lhs_hint = false} : vector<1024x2048xbf16>, vector<2048x1xbf16>, vector<1024x1xf32> -> vector<1024x1xf32>
    %add3A_330 = arith.addf %add3A_281, %dot_general3A_329 : vector<1024x1xf32>
    %dot_general3A_331 = arith.constant dense<0.000000e+00> : vector<1024x256xf32>
    %dot_general3A_332 = tpu.matmul %exp3A_299, %convert_element_type3A_325, %dot_general3A_331 {dimension_numbers = #tpu.dot_dimension_numbers<[1], [0], [0], [1], [0, 0, 1, 1], [], []>, transpose_lhs_hint = false} : vector<1024x2048xbf16>, vector<2048x256xbf16>, vector<1024x256xf32> -> vector<1024x256xf32>
    %add3A_333 = arith.addf %add3A_284, %dot_general3A_332 : vector<1024x256xf32>
    %dot_general3A_334 = arith.constant dense<0.000000e+00> : vector<1024x32xf32>
    %dot_general3A_335 = tpu.matmul %convert_element_type3A_298, %mul3A_327, %dot_general3A_334 {dimension_numbers = #tpu.dot_dimension_numbers<[1], [0], [0], [1], [0, 0, 1, 1], [], []>, transpose_lhs_hint = false} : vector<1024x2048xbf16>, vector<2048x32xbf16>, vector<1024x32xf32> -> vector<1024x32xf32>
    %slice3A_336 = vector.extract_strided_slice %convert_element_type3A_22 {offsets = [0, 64], sizes = [1024, 32], strides = [1, 1]} : vector<1024x256xf32> to vector<1024x32xf32>
    %mul3A_337 = arith.mulf %dot_general3A_335, %slice3A_336 : vector<1024x32xf32>
    %reduce_sum3A_338 = arith.constant dense<0.000000e+00> : vector<1024xf32>
    %reduce_sum3A_339 = vector.multi_reduction <add>, %mul3A_337, %reduce_sum3A_338 [1] : vector<1024x32xf32> to vector<1024xf32>
    %broadcast_in_dim3A_340 = vector.shape_cast %reduce_sum3A_339 : vector<1024xf32> to vector<1024x1xf32>
    %add3A_341 = arith.addf %add3A_292, %broadcast_in_dim3A_340 : vector<1024x1xf32>
    %get3A_342 = arith.constant 6144 : index
    %get3A_343 = arith.constant 0 : index
    %get3A_344 = vector.load %arg2[%get3A_342, %get3A_343] : memref<16384x128xbf16, #tpu.memory_space<vmem>>, vector<2048x128xbf16>
    %dot_general3A_345 = arith.constant dense<0.000000e+00> : vector<1024x2048xf32>
    %dot_general3A_346 = tpu.matmul %convert_element_type3A, %get3A_344, %dot_general3A_345 {dimension_numbers = #tpu.dot_dimension_numbers<[1], [1], [0], [0], [0, 0, 1, 0], [], []>, transpose_lhs_hint = false} : vector<1024x128xbf16>, vector<2048x128xbf16>, vector<1024x2048xf32> -> vector<1024x2048xf32>
    %convert_element_type3A_347 = arith.truncf %dot_general3A_346 : vector<1024x2048xf32> to vector<1024x2048xbf16>
    %exp3A_348 = math.exp %convert_element_type3A_347 : vector<1024x2048xbf16>
    %slice3A_349 = vector.extract_strided_slice %get3A_10 {offsets = [0, 96], sizes = [1, 32], strides = [1, 1]} : vector<1x256xf32> to vector<1x32xf32>
    %dot_general3A_350 = arith.constant dense<0.000000e+00> : vector<2048x1xf32>
    %dot_general3A_351 = tpu.matmul %convert_element_type3A_190, %slice3A_349, %dot_general3A_350 {dimension_numbers = #tpu.dot_dimension_numbers<[1], [1], [0], [0], [0, 0, 1, 0], [], []>, transpose_lhs_hint = false} : vector<2048x32xf32>, vector<1x32xf32>, vector<2048x1xf32> -> vector<2048x1xf32>
    %convert_element_type3A_352 = arith.fptosi %dot_general3A_351 : vector<2048x1xf32> to vector<2048x1xi32>
    %add3A_353 = arith.addi %sub3A_116, %convert_element_type3A_352 : vector<2048x1xi32>
    %lt3A_354 = arith.constant 64 : i32
    %lt3A_355 = vector.broadcast %lt3A_354 : i32 to vector<2048x1xi32>
    %lt3A_356 = arith.cmpi slt, %add3A_353, %lt3A_355 : vector<2048x1xi32>
    %convert_element_type3A_357 = arith.extui %lt3A_356 : vector<2048x1xi1> to vector<2048x1xi32>
    %convert_element_type3A_358 = arith.sitofp %convert_element_type3A_357 : vector<2048x1xi32> to vector<2048x1xf32>
    %convert_element_type3A_359 = arith.truncf %convert_element_type3A_358 : vector<2048x1xf32> to vector<2048x1xbf16>
    %lt3A_360 = arith.constant 64 : i32
    %lt3A_361 = vector.broadcast %lt3A_360 : i32 to vector<2048x1xi32>
    %lt3A_362 = arith.cmpi slt, %add3A_353, %lt3A_361 : vector<2048x1xi32>
    %mul3A_363 = arith.constant 64 : i32
    %mul3A_364 = vector.broadcast %mul3A_363 : i32 to vector<2048x1xi32>
    %mul3A_365 = arith.muli %sub3A_151, %mul3A_364 : vector<2048x1xi32>
    %add3A_366 = arith.addi %mul3A_365, %add3A_353 : vector<2048x1xi32>
    %jit3A_367 = arith.constant 256 : i32
    %broadcast_in_dim3A_368 = vector.broadcast %jit3A_367 : i32 to vector<2048x1xi32>
    %select_n3A_369 = arith.select %lt3A_362, %add3A_366, %broadcast_in_dim3A_368 : vector<2048x1xi1>, vector<2048x1xi32>
    %eq3A_370 = vector.broadcast %select_n3A_369 : vector<2048x1xi32> to vector<2048x256xi32>
    %eq3A_371 = arith.cmpi eq, %eq3A_370, %iota3A_191 : vector<2048x256xi32>
    %convert_element_type3A_372 = arith.extui %eq3A_371 : vector<2048x256xi1> to vector<2048x256xi32>
    %convert_element_type3A_373 = arith.sitofp %convert_element_type3A_372 : vector<2048x256xi32> to vector<2048x256xf32>
    %convert_element_type3A_374 = arith.truncf %convert_element_type3A_373 : vector<2048x256xf32> to vector<2048x256xbf16>
    %mul3A_375 = vector.broadcast %convert_element_type3A_359 : vector<2048x1xbf16> to vector<2048x32xbf16>
    %mul3A_376 = arith.mulf %convert_element_type3A_188, %mul3A_375 : vector<2048x32xbf16>
    %dot_general3A_377 = arith.constant dense<0.000000e+00> : vector<1024x1xf32>
    %dot_general3A_378 = tpu.matmul %exp3A_348, %convert_element_type3A_359, %dot_general3A_377 {dimension_numbers = #tpu.dot_dimension_numbers<[1], [0], [0], [1], [0, 0, 1, 1], [], []>, transpose_lhs_hint = false} : vector<1024x2048xbf16>, vector<2048x1xbf16>, vector<1024x1xf32> -> vector<1024x1xf32>
    %add3A_379 = arith.addf %add3A_330, %dot_general3A_378 : vector<1024x1xf32>
    %dot_general3A_380 = arith.constant dense<0.000000e+00> : vector<1024x256xf32>
    %dot_general3A_381 = tpu.matmul %exp3A_348, %convert_element_type3A_374, %dot_general3A_380 {dimension_numbers = #tpu.dot_dimension_numbers<[1], [0], [0], [1], [0, 0, 1, 1], [], []>, transpose_lhs_hint = false} : vector<1024x2048xbf16>, vector<2048x256xbf16>, vector<1024x256xf32> -> vector<1024x256xf32>
    %add3A_382 = arith.addf %add3A_333, %dot_general3A_381 : vector<1024x256xf32>
    %dot_general3A_383 = arith.constant dense<0.000000e+00> : vector<1024x32xf32>
    %dot_general3A_384 = tpu.matmul %convert_element_type3A_347, %mul3A_376, %dot_general3A_383 {dimension_numbers = #tpu.dot_dimension_numbers<[1], [0], [0], [1], [0, 0, 1, 1], [], []>, transpose_lhs_hint = false} : vector<1024x2048xbf16>, vector<2048x32xbf16>, vector<1024x32xf32> -> vector<1024x32xf32>
    %slice3A_385 = vector.extract_strided_slice %convert_element_type3A_22 {offsets = [0, 96], sizes = [1024, 32], strides = [1, 1]} : vector<1024x256xf32> to vector<1024x32xf32>
    %mul3A_386 = arith.mulf %dot_general3A_384, %slice3A_385 : vector<1024x32xf32>
    %reduce_sum3A_387 = arith.constant dense<0.000000e+00> : vector<1024xf32>
    %reduce_sum3A_388 = vector.multi_reduction <add>, %mul3A_386, %reduce_sum3A_387 [1] : vector<1024x32xf32> to vector<1024xf32>
    %broadcast_in_dim3A_389 = vector.shape_cast %reduce_sum3A_388 : vector<1024xf32> to vector<1024x1xf32>
    %add3A_390 = arith.addf %add3A_341, %broadcast_in_dim3A_389 : vector<1024x1xf32>
    %get3A_391 = arith.constant 8192 : index
    %get3A_392 = arith.constant 0 : index
    %get3A_393 = vector.load %arg2[%get3A_391, %get3A_392] : memref<16384x128xbf16, #tpu.memory_space<vmem>>, vector<2048x128xbf16>
    %dot_general3A_394 = arith.constant dense<0.000000e+00> : vector<1024x2048xf32>
    %dot_general3A_395 = tpu.matmul %convert_element_type3A, %get3A_393, %dot_general3A_394 {dimension_numbers = #tpu.dot_dimension_numbers<[1], [1], [0], [0], [0, 0, 1, 0], [], []>, transpose_lhs_hint = false} : vector<1024x128xbf16>, vector<2048x128xbf16>, vector<1024x2048xf32> -> vector<1024x2048xf32>
    %convert_element_type3A_396 = arith.truncf %dot_general3A_395 : vector<1024x2048xf32> to vector<1024x2048xbf16>
    %exp3A_397 = math.exp %convert_element_type3A_396 : vector<1024x2048xbf16>
    %slice3A_398 = vector.extract_strided_slice %get3A_10 {offsets = [0, 128], sizes = [1, 32], strides = [1, 1]} : vector<1x256xf32> to vector<1x32xf32>
    %dot_general3A_399 = arith.constant dense<0.000000e+00> : vector<2048x1xf32>
    %dot_general3A_400 = tpu.matmul %convert_element_type3A_190, %slice3A_398, %dot_general3A_399 {dimension_numbers = #tpu.dot_dimension_numbers<[1], [1], [0], [0], [0, 0, 1, 0], [], []>, transpose_lhs_hint = false} : vector<2048x32xf32>, vector<1x32xf32>, vector<2048x1xf32> -> vector<2048x1xf32>
    %convert_element_type3A_401 = arith.fptosi %dot_general3A_400 : vector<2048x1xf32> to vector<2048x1xi32>
    %add3A_402 = arith.addi %sub3A_116, %convert_element_type3A_401 : vector<2048x1xi32>
    %lt3A_403 = arith.constant 64 : i32
    %lt3A_404 = vector.broadcast %lt3A_403 : i32 to vector<2048x1xi32>
    %lt3A_405 = arith.cmpi slt, %add3A_402, %lt3A_404 : vector<2048x1xi32>
    %convert_element_type3A_406 = arith.extui %lt3A_405 : vector<2048x1xi1> to vector<2048x1xi32>
    %convert_element_type3A_407 = arith.sitofp %convert_element_type3A_406 : vector<2048x1xi32> to vector<2048x1xf32>
    %convert_element_type3A_408 = arith.truncf %convert_element_type3A_407 : vector<2048x1xf32> to vector<2048x1xbf16>
    %lt3A_409 = arith.constant 64 : i32
    %lt3A_410 = vector.broadcast %lt3A_409 : i32 to vector<2048x1xi32>
    %lt3A_411 = arith.cmpi slt, %add3A_402, %lt3A_410 : vector<2048x1xi32>
    %mul3A_412 = arith.constant 64 : i32
    %mul3A_413 = vector.broadcast %mul3A_412 : i32 to vector<2048x1xi32>
    %mul3A_414 = arith.muli %sub3A_151, %mul3A_413 : vector<2048x1xi32>
    %add3A_415 = arith.addi %mul3A_414, %add3A_402 : vector<2048x1xi32>
    %jit3A_416 = arith.constant 256 : i32
    %broadcast_in_dim3A_417 = vector.broadcast %jit3A_416 : i32 to vector<2048x1xi32>
    %select_n3A_418 = arith.select %lt3A_411, %add3A_415, %broadcast_in_dim3A_417 : vector<2048x1xi1>, vector<2048x1xi32>
    %eq3A_419 = vector.broadcast %select_n3A_418 : vector<2048x1xi32> to vector<2048x256xi32>
    %eq3A_420 = arith.cmpi eq, %eq3A_419, %iota3A_191 : vector<2048x256xi32>
    %convert_element_type3A_421 = arith.extui %eq3A_420 : vector<2048x256xi1> to vector<2048x256xi32>
    %convert_element_type3A_422 = arith.sitofp %convert_element_type3A_421 : vector<2048x256xi32> to vector<2048x256xf32>
    %convert_element_type3A_423 = arith.truncf %convert_element_type3A_422 : vector<2048x256xf32> to vector<2048x256xbf16>
    %mul3A_424 = vector.broadcast %convert_element_type3A_408 : vector<2048x1xbf16> to vector<2048x32xbf16>
    %mul3A_425 = arith.mulf %convert_element_type3A_188, %mul3A_424 : vector<2048x32xbf16>
    %dot_general3A_426 = arith.constant dense<0.000000e+00> : vector<1024x1xf32>
    %dot_general3A_427 = tpu.matmul %exp3A_397, %convert_element_type3A_408, %dot_general3A_426 {dimension_numbers = #tpu.dot_dimension_numbers<[1], [0], [0], [1], [0, 0, 1, 1], [], []>, transpose_lhs_hint = false} : vector<1024x2048xbf16>, vector<2048x1xbf16>, vector<1024x1xf32> -> vector<1024x1xf32>
    %add3A_428 = arith.addf %add3A_379, %dot_general3A_427 : vector<1024x1xf32>
    %dot_general3A_429 = arith.constant dense<0.000000e+00> : vector<1024x256xf32>
    %dot_general3A_430 = tpu.matmul %exp3A_397, %convert_element_type3A_423, %dot_general3A_429 {dimension_numbers = #tpu.dot_dimension_numbers<[1], [0], [0], [1], [0, 0, 1, 1], [], []>, transpose_lhs_hint = false} : vector<1024x2048xbf16>, vector<2048x256xbf16>, vector<1024x256xf32> -> vector<1024x256xf32>
    %add3A_431 = arith.addf %add3A_382, %dot_general3A_430 : vector<1024x256xf32>
    %dot_general3A_432 = arith.constant dense<0.000000e+00> : vector<1024x32xf32>
    %dot_general3A_433 = tpu.matmul %convert_element_type3A_396, %mul3A_425, %dot_general3A_432 {dimension_numbers = #tpu.dot_dimension_numbers<[1], [0], [0], [1], [0, 0, 1, 1], [], []>, transpose_lhs_hint = false} : vector<1024x2048xbf16>, vector<2048x32xbf16>, vector<1024x32xf32> -> vector<1024x32xf32>
    %slice3A_434 = vector.extract_strided_slice %convert_element_type3A_22 {offsets = [0, 128], sizes = [1024, 32], strides = [1, 1]} : vector<1024x256xf32> to vector<1024x32xf32>
    %mul3A_435 = arith.mulf %dot_general3A_433, %slice3A_434 : vector<1024x32xf32>
    %reduce_sum3A_436 = arith.constant dense<0.000000e+00> : vector<1024xf32>
    %reduce_sum3A_437 = vector.multi_reduction <add>, %mul3A_435, %reduce_sum3A_436 [1] : vector<1024x32xf32> to vector<1024xf32>
    %broadcast_in_dim3A_438 = vector.shape_cast %reduce_sum3A_437 : vector<1024xf32> to vector<1024x1xf32>
    %add3A_439 = arith.addf %add3A_390, %broadcast_in_dim3A_438 : vector<1024x1xf32>
    %get3A_440 = arith.constant 10240 : index
    %get3A_441 = arith.constant 0 : index
    %get3A_442 = vector.load %arg2[%get3A_440, %get3A_441] : memref<16384x128xbf16, #tpu.memory_space<vmem>>, vector<2048x128xbf16>
    %dot_general3A_443 = arith.constant dense<0.000000e+00> : vector<1024x2048xf32>
    %dot_general3A_444 = tpu.matmul %convert_element_type3A, %get3A_442, %dot_general3A_443 {dimension_numbers = #tpu.dot_dimension_numbers<[1], [1], [0], [0], [0, 0, 1, 0], [], []>, transpose_lhs_hint = false} : vector<1024x128xbf16>, vector<2048x128xbf16>, vector<1024x2048xf32> -> vector<1024x2048xf32>
    %convert_element_type3A_445 = arith.truncf %dot_general3A_444 : vector<1024x2048xf32> to vector<1024x2048xbf16>
    %exp3A_446 = math.exp %convert_element_type3A_445 : vector<1024x2048xbf16>
    %slice3A_447 = vector.extract_strided_slice %get3A_10 {offsets = [0, 160], sizes = [1, 32], strides = [1, 1]} : vector<1x256xf32> to vector<1x32xf32>
    %dot_general3A_448 = arith.constant dense<0.000000e+00> : vector<2048x1xf32>
    %dot_general3A_449 = tpu.matmul %convert_element_type3A_190, %slice3A_447, %dot_general3A_448 {dimension_numbers = #tpu.dot_dimension_numbers<[1], [1], [0], [0], [0, 0, 1, 0], [], []>, transpose_lhs_hint = false} : vector<2048x32xf32>, vector<1x32xf32>, vector<2048x1xf32> -> vector<2048x1xf32>
    %convert_element_type3A_450 = arith.fptosi %dot_general3A_449 : vector<2048x1xf32> to vector<2048x1xi32>
    %add3A_451 = arith.addi %sub3A_116, %convert_element_type3A_450 : vector<2048x1xi32>
    %lt3A_452 = arith.constant 64 : i32
    %lt3A_453 = vector.broadcast %lt3A_452 : i32 to vector<2048x1xi32>
    %lt3A_454 = arith.cmpi slt, %add3A_451, %lt3A_453 : vector<2048x1xi32>
    %convert_element_type3A_455 = arith.extui %lt3A_454 : vector<2048x1xi1> to vector<2048x1xi32>
    %convert_element_type3A_456 = arith.sitofp %convert_element_type3A_455 : vector<2048x1xi32> to vector<2048x1xf32>
    %convert_element_type3A_457 = arith.truncf %convert_element_type3A_456 : vector<2048x1xf32> to vector<2048x1xbf16>
    %lt3A_458 = arith.constant 64 : i32
    %lt3A_459 = vector.broadcast %lt3A_458 : i32 to vector<2048x1xi32>
    %lt3A_460 = arith.cmpi slt, %add3A_451, %lt3A_459 : vector<2048x1xi32>
    %mul3A_461 = arith.constant 64 : i32
    %mul3A_462 = vector.broadcast %mul3A_461 : i32 to vector<2048x1xi32>
    %mul3A_463 = arith.muli %sub3A_151, %mul3A_462 : vector<2048x1xi32>
    %add3A_464 = arith.addi %mul3A_463, %add3A_451 : vector<2048x1xi32>
    %jit3A_465 = arith.constant 256 : i32
    %broadcast_in_dim3A_466 = vector.broadcast %jit3A_465 : i32 to vector<2048x1xi32>
    %select_n3A_467 = arith.select %lt3A_460, %add3A_464, %broadcast_in_dim3A_466 : vector<2048x1xi1>, vector<2048x1xi32>
    %eq3A_468 = vector.broadcast %select_n3A_467 : vector<2048x1xi32> to vector<2048x256xi32>
    %eq3A_469 = arith.cmpi eq, %eq3A_468, %iota3A_191 : vector<2048x256xi32>
    %convert_element_type3A_470 = arith.extui %eq3A_469 : vector<2048x256xi1> to vector<2048x256xi32>
    %convert_element_type3A_471 = arith.sitofp %convert_element_type3A_470 : vector<2048x256xi32> to vector<2048x256xf32>
    %convert_element_type3A_472 = arith.truncf %convert_element_type3A_471 : vector<2048x256xf32> to vector<2048x256xbf16>
    %mul3A_473 = vector.broadcast %convert_element_type3A_457 : vector<2048x1xbf16> to vector<2048x32xbf16>
    %mul3A_474 = arith.mulf %convert_element_type3A_188, %mul3A_473 : vector<2048x32xbf16>
    %dot_general3A_475 = arith.constant dense<0.000000e+00> : vector<1024x1xf32>
    %dot_general3A_476 = tpu.matmul %exp3A_446, %convert_element_type3A_457, %dot_general3A_475 {dimension_numbers = #tpu.dot_dimension_numbers<[1], [0], [0], [1], [0, 0, 1, 1], [], []>, transpose_lhs_hint = false} : vector<1024x2048xbf16>, vector<2048x1xbf16>, vector<1024x1xf32> -> vector<1024x1xf32>
    %add3A_477 = arith.addf %add3A_428, %dot_general3A_476 : vector<1024x1xf32>
    %dot_general3A_478 = arith.constant dense<0.000000e+00> : vector<1024x256xf32>
    %dot_general3A_479 = tpu.matmul %exp3A_446, %convert_element_type3A_472, %dot_general3A_478 {dimension_numbers = #tpu.dot_dimension_numbers<[1], [0], [0], [1], [0, 0, 1, 1], [], []>, transpose_lhs_hint = false} : vector<1024x2048xbf16>, vector<2048x256xbf16>, vector<1024x256xf32> -> vector<1024x256xf32>
    %add3A_480 = arith.addf %add3A_431, %dot_general3A_479 : vector<1024x256xf32>
    %dot_general3A_481 = arith.constant dense<0.000000e+00> : vector<1024x32xf32>
    %dot_general3A_482 = tpu.matmul %convert_element_type3A_445, %mul3A_474, %dot_general3A_481 {dimension_numbers = #tpu.dot_dimension_numbers<[1], [0], [0], [1], [0, 0, 1, 1], [], []>, transpose_lhs_hint = false} : vector<1024x2048xbf16>, vector<2048x32xbf16>, vector<1024x32xf32> -> vector<1024x32xf32>
    %slice3A_483 = vector.extract_strided_slice %convert_element_type3A_22 {offsets = [0, 160], sizes = [1024, 32], strides = [1, 1]} : vector<1024x256xf32> to vector<1024x32xf32>
    %mul3A_484 = arith.mulf %dot_general3A_482, %slice3A_483 : vector<1024x32xf32>
    %reduce_sum3A_485 = arith.constant dense<0.000000e+00> : vector<1024xf32>
    %reduce_sum3A_486 = vector.multi_reduction <add>, %mul3A_484, %reduce_sum3A_485 [1] : vector<1024x32xf32> to vector<1024xf32>
    %broadcast_in_dim3A_487 = vector.shape_cast %reduce_sum3A_486 : vector<1024xf32> to vector<1024x1xf32>
    %add3A_488 = arith.addf %add3A_439, %broadcast_in_dim3A_487 : vector<1024x1xf32>
    %get3A_489 = arith.constant 12288 : index
    %get3A_490 = arith.constant 0 : index
    %get3A_491 = vector.load %arg2[%get3A_489, %get3A_490] : memref<16384x128xbf16, #tpu.memory_space<vmem>>, vector<2048x128xbf16>
    %dot_general3A_492 = arith.constant dense<0.000000e+00> : vector<1024x2048xf32>
    %dot_general3A_493 = tpu.matmul %convert_element_type3A, %get3A_491, %dot_general3A_492 {dimension_numbers = #tpu.dot_dimension_numbers<[1], [1], [0], [0], [0, 0, 1, 0], [], []>, transpose_lhs_hint = false} : vector<1024x128xbf16>, vector<2048x128xbf16>, vector<1024x2048xf32> -> vector<1024x2048xf32>
    %convert_element_type3A_494 = arith.truncf %dot_general3A_493 : vector<1024x2048xf32> to vector<1024x2048xbf16>
    %exp3A_495 = math.exp %convert_element_type3A_494 : vector<1024x2048xbf16>
    %slice3A_496 = vector.extract_strided_slice %get3A_10 {offsets = [0, 192], sizes = [1, 32], strides = [1, 1]} : vector<1x256xf32> to vector<1x32xf32>
    %dot_general3A_497 = arith.constant dense<0.000000e+00> : vector<2048x1xf32>
    %dot_general3A_498 = tpu.matmul %convert_element_type3A_190, %slice3A_496, %dot_general3A_497 {dimension_numbers = #tpu.dot_dimension_numbers<[1], [1], [0], [0], [0, 0, 1, 0], [], []>, transpose_lhs_hint = false} : vector<2048x32xf32>, vector<1x32xf32>, vector<2048x1xf32> -> vector<2048x1xf32>
    %convert_element_type3A_499 = arith.fptosi %dot_general3A_498 : vector<2048x1xf32> to vector<2048x1xi32>
    %add3A_500 = arith.addi %sub3A_116, %convert_element_type3A_499 : vector<2048x1xi32>
    %lt3A_501 = arith.constant 64 : i32
    %lt3A_502 = vector.broadcast %lt3A_501 : i32 to vector<2048x1xi32>
    %lt3A_503 = arith.cmpi slt, %add3A_500, %lt3A_502 : vector<2048x1xi32>
    %convert_element_type3A_504 = arith.extui %lt3A_503 : vector<2048x1xi1> to vector<2048x1xi32>
    %convert_element_type3A_505 = arith.sitofp %convert_element_type3A_504 : vector<2048x1xi32> to vector<2048x1xf32>
    %convert_element_type3A_506 = arith.truncf %convert_element_type3A_505 : vector<2048x1xf32> to vector<2048x1xbf16>
    %lt3A_507 = arith.constant 64 : i32
    %lt3A_508 = vector.broadcast %lt3A_507 : i32 to vector<2048x1xi32>
    %lt3A_509 = arith.cmpi slt, %add3A_500, %lt3A_508 : vector<2048x1xi32>
    %mul3A_510 = arith.constant 64 : i32
    %mul3A_511 = vector.broadcast %mul3A_510 : i32 to vector<2048x1xi32>
    %mul3A_512 = arith.muli %sub3A_151, %mul3A_511 : vector<2048x1xi32>
    %add3A_513 = arith.addi %mul3A_512, %add3A_500 : vector<2048x1xi32>
    %jit3A_514 = arith.constant 256 : i32
    %broadcast_in_dim3A_515 = vector.broadcast %jit3A_514 : i32 to vector<2048x1xi32>
    %select_n3A_516 = arith.select %lt3A_509, %add3A_513, %broadcast_in_dim3A_515 : vector<2048x1xi1>, vector<2048x1xi32>
    %eq3A_517 = vector.broadcast %select_n3A_516 : vector<2048x1xi32> to vector<2048x256xi32>
    %eq3A_518 = arith.cmpi eq, %eq3A_517, %iota3A_191 : vector<2048x256xi32>
    %convert_element_type3A_519 = arith.extui %eq3A_518 : vector<2048x256xi1> to vector<2048x256xi32>
    %convert_element_type3A_520 = arith.sitofp %convert_element_type3A_519 : vector<2048x256xi32> to vector<2048x256xf32>
    %convert_element_type3A_521 = arith.truncf %convert_element_type3A_520 : vector<2048x256xf32> to vector<2048x256xbf16>
    %mul3A_522 = vector.broadcast %convert_element_type3A_506 : vector<2048x1xbf16> to vector<2048x32xbf16>
    %mul3A_523 = arith.mulf %convert_element_type3A_188, %mul3A_522 : vector<2048x32xbf16>
    %dot_general3A_524 = arith.constant dense<0.000000e+00> : vector<1024x1xf32>
    %dot_general3A_525 = tpu.matmul %exp3A_495, %convert_element_type3A_506, %dot_general3A_524 {dimension_numbers = #tpu.dot_dimension_numbers<[1], [0], [0], [1], [0, 0, 1, 1], [], []>, transpose_lhs_hint = false} : vector<1024x2048xbf16>, vector<2048x1xbf16>, vector<1024x1xf32> -> vector<1024x1xf32>
    %add3A_526 = arith.addf %add3A_477, %dot_general3A_525 : vector<1024x1xf32>
    %dot_general3A_527 = arith.constant dense<0.000000e+00> : vector<1024x256xf32>
    %dot_general3A_528 = tpu.matmul %exp3A_495, %convert_element_type3A_521, %dot_general3A_527 {dimension_numbers = #tpu.dot_dimension_numbers<[1], [0], [0], [1], [0, 0, 1, 1], [], []>, transpose_lhs_hint = false} : vector<1024x2048xbf16>, vector<2048x256xbf16>, vector<1024x256xf32> -> vector<1024x256xf32>
    %add3A_529 = arith.addf %add3A_480, %dot_general3A_528 : vector<1024x256xf32>
    %dot_general3A_530 = arith.constant dense<0.000000e+00> : vector<1024x32xf32>
    %dot_general3A_531 = tpu.matmul %convert_element_type3A_494, %mul3A_523, %dot_general3A_530 {dimension_numbers = #tpu.dot_dimension_numbers<[1], [0], [0], [1], [0, 0, 1, 1], [], []>, transpose_lhs_hint = false} : vector<1024x2048xbf16>, vector<2048x32xbf16>, vector<1024x32xf32> -> vector<1024x32xf32>
    %slice3A_532 = vector.extract_strided_slice %convert_element_type3A_22 {offsets = [0, 192], sizes = [1024, 32], strides = [1, 1]} : vector<1024x256xf32> to vector<1024x32xf32>
    %mul3A_533 = arith.mulf %dot_general3A_531, %slice3A_532 : vector<1024x32xf32>
    %reduce_sum3A_534 = arith.constant dense<0.000000e+00> : vector<1024xf32>
    %reduce_sum3A_535 = vector.multi_reduction <add>, %mul3A_533, %reduce_sum3A_534 [1] : vector<1024x32xf32> to vector<1024xf32>
    %broadcast_in_dim3A_536 = vector.shape_cast %reduce_sum3A_535 : vector<1024xf32> to vector<1024x1xf32>
    %add3A_537 = arith.addf %add3A_488, %broadcast_in_dim3A_536 : vector<1024x1xf32>
    %get3A_538 = arith.constant 14336 : index
    %get3A_539 = arith.constant 0 : index
    %get3A_540 = vector.load %arg2[%get3A_538, %get3A_539] : memref<16384x128xbf16, #tpu.memory_space<vmem>>, vector<2048x128xbf16>
    %dot_general3A_541 = arith.constant dense<0.000000e+00> : vector<1024x2048xf32>
    %dot_general3A_542 = tpu.matmul %convert_element_type3A, %get3A_540, %dot_general3A_541 {dimension_numbers = #tpu.dot_dimension_numbers<[1], [1], [0], [0], [0, 0, 1, 0], [], []>, transpose_lhs_hint = false} : vector<1024x128xbf16>, vector<2048x128xbf16>, vector<1024x2048xf32> -> vector<1024x2048xf32>
    %convert_element_type3A_543 = arith.truncf %dot_general3A_542 : vector<1024x2048xf32> to vector<1024x2048xbf16>
    %exp3A_544 = math.exp %convert_element_type3A_543 : vector<1024x2048xbf16>
    %slice3A_545 = vector.extract_strided_slice %get3A_10 {offsets = [0, 224], sizes = [1, 32], strides = [1, 1]} : vector<1x256xf32> to vector<1x32xf32>
    %dot_general3A_546 = arith.constant dense<0.000000e+00> : vector<2048x1xf32>
    %dot_general3A_547 = tpu.matmul %convert_element_type3A_190, %slice3A_545, %dot_general3A_546 {dimension_numbers = #tpu.dot_dimension_numbers<[1], [1], [0], [0], [0, 0, 1, 0], [], []>, transpose_lhs_hint = false} : vector<2048x32xf32>, vector<1x32xf32>, vector<2048x1xf32> -> vector<2048x1xf32>
    %convert_element_type3A_548 = arith.fptosi %dot_general3A_547 : vector<2048x1xf32> to vector<2048x1xi32>
    %add3A_549 = arith.addi %sub3A_116, %convert_element_type3A_548 : vector<2048x1xi32>
    %lt3A_550 = arith.constant 64 : i32
    %lt3A_551 = vector.broadcast %lt3A_550 : i32 to vector<2048x1xi32>
    %lt3A_552 = arith.cmpi slt, %add3A_549, %lt3A_551 : vector<2048x1xi32>
    %convert_element_type3A_553 = arith.extui %lt3A_552 : vector<2048x1xi1> to vector<2048x1xi32>
    %convert_element_type3A_554 = arith.sitofp %convert_element_type3A_553 : vector<2048x1xi32> to vector<2048x1xf32>
    %convert_element_type3A_555 = arith.truncf %convert_element_type3A_554 : vector<2048x1xf32> to vector<2048x1xbf16>
    %lt3A_556 = arith.constant 64 : i32
    %lt3A_557 = vector.broadcast %lt3A_556 : i32 to vector<2048x1xi32>
    %lt3A_558 = arith.cmpi slt, %add3A_549, %lt3A_557 : vector<2048x1xi32>
    %mul3A_559 = arith.constant 64 : i32
    %mul3A_560 = vector.broadcast %mul3A_559 : i32 to vector<2048x1xi32>
    %mul3A_561 = arith.muli %sub3A_151, %mul3A_560 : vector<2048x1xi32>
    %add3A_562 = arith.addi %mul3A_561, %add3A_549 : vector<2048x1xi32>
    %jit3A_563 = arith.constant 256 : i32
    %broadcast_in_dim3A_564 = vector.broadcast %jit3A_563 : i32 to vector<2048x1xi32>
    %select_n3A_565 = arith.select %lt3A_558, %add3A_562, %broadcast_in_dim3A_564 : vector<2048x1xi1>, vector<2048x1xi32>
    %eq3A_566 = vector.broadcast %select_n3A_565 : vector<2048x1xi32> to vector<2048x256xi32>
    %eq3A_567 = arith.cmpi eq, %eq3A_566, %iota3A_191 : vector<2048x256xi32>
    %convert_element_type3A_568 = arith.extui %eq3A_567 : vector<2048x256xi1> to vector<2048x256xi32>
    %convert_element_type3A_569 = arith.sitofp %convert_element_type3A_568 : vector<2048x256xi32> to vector<2048x256xf32>
    %convert_element_type3A_570 = arith.truncf %convert_element_type3A_569 : vector<2048x256xf32> to vector<2048x256xbf16>
    %mul3A_571 = vector.broadcast %convert_element_type3A_555 : vector<2048x1xbf16> to vector<2048x32xbf16>
    %mul3A_572 = arith.mulf %convert_element_type3A_188, %mul3A_571 : vector<2048x32xbf16>
    %dot_general3A_573 = arith.constant dense<0.000000e+00> : vector<1024x1xf32>
    %dot_general3A_574 = tpu.matmul %exp3A_544, %convert_element_type3A_555, %dot_general3A_573 {dimension_numbers = #tpu.dot_dimension_numbers<[1], [0], [0], [1], [0, 0, 1, 1], [], []>, transpose_lhs_hint = false} : vector<1024x2048xbf16>, vector<2048x1xbf16>, vector<1024x1xf32> -> vector<1024x1xf32>
    %add3A_575 = arith.addf %add3A_526, %dot_general3A_574 : vector<1024x1xf32>
    %dot_general3A_576 = arith.constant dense<0.000000e+00> : vector<1024x256xf32>
    %dot_general3A_577 = tpu.matmul %exp3A_544, %convert_element_type3A_570, %dot_general3A_576 {dimension_numbers = #tpu.dot_dimension_numbers<[1], [0], [0], [1], [0, 0, 1, 1], [], []>, transpose_lhs_hint = false} : vector<1024x2048xbf16>, vector<2048x256xbf16>, vector<1024x256xf32> -> vector<1024x256xf32>
    %add3A_578 = arith.addf %add3A_529, %dot_general3A_577 : vector<1024x256xf32>
    %dot_general3A_579 = arith.constant dense<0.000000e+00> : vector<1024x32xf32>
    %dot_general3A_580 = tpu.matmul %convert_element_type3A_543, %mul3A_572, %dot_general3A_579 {dimension_numbers = #tpu.dot_dimension_numbers<[1], [0], [0], [1], [0, 0, 1, 1], [], []>, transpose_lhs_hint = false} : vector<1024x2048xbf16>, vector<2048x32xbf16>, vector<1024x32xf32> -> vector<1024x32xf32>
    %slice3A_581 = vector.extract_strided_slice %convert_element_type3A_22 {offsets = [0, 224], sizes = [1024, 32], strides = [1, 1]} : vector<1024x256xf32> to vector<1024x32xf32>
    %mul3A_582 = arith.mulf %dot_general3A_580, %slice3A_581 : vector<1024x32xf32>
    %reduce_sum3A_583 = arith.constant dense<0.000000e+00> : vector<1024xf32>
    %reduce_sum3A_584 = vector.multi_reduction <add>, %mul3A_582, %reduce_sum3A_583 [1] : vector<1024x32xf32> to vector<1024xf32>
    %broadcast_in_dim3A_585 = vector.shape_cast %reduce_sum3A_584 : vector<1024xf32> to vector<1024x1xf32>
    %add3A_586 = arith.addf %add3A_537, %broadcast_in_dim3A_585 : vector<1024x1xf32>
    %mul3A_587 = arith.mulf %add3A_578, %convert_element_type3A_22 : vector<1024x256xf32>
    %reduce_sum3A_588 = arith.constant dense<0.000000e+00> : vector<1024xf32>
    %reduce_sum3A_589 = vector.multi_reduction <add>, %mul3A_587, %reduce_sum3A_588 [1] : vector<1024x256xf32> to vector<1024xf32>
    %broadcast_in_dim3A_590 = vector.shape_cast %reduce_sum3A_589 : vector<1024xf32> to vector<1024x1xf32>
    %mul3A_591 = arith.constant 1.562500e-02 : f32
    %mul3A_592 = vector.broadcast %mul3A_591 : f32 to vector<1024x1xf32>
    %mul3A_593 = arith.mulf %add3A_586, %mul3A_592 : vector<1024x1xf32>
    %sub3A_594 = arith.subf %add3A_575, %broadcast_in_dim3A_590 : vector<1024x1xf32>
    %exp3A_595 = math.exp %mul3A_593 : vector<1024x1xf32>
    %add3A_596 = arith.addf %exp3A_595, %sub3A_594 : vector<1024x1xf32>
    %log3A = math.log %add3A_596 : vector<1024x1xf32>
    %sub3A_597 = arith.subf %log3A, %mul3A_593 : vector<1024x1xf32>
    %reduce_sum3A_598 = vector.shape_cast %sub3A_597 : vector<1024x1xf32> to vector<1x1024x1xf32>
    %reduce_sum3A_599 = arith.constant dense<0.000000e+00> : vector<1xf32>
    %reduce_sum3A_600 = vector.multi_reduction <add>, %reduce_sum3A_598, %reduce_sum3A_599 [1, 2] : vector<1x1024x1xf32> to vector<1xf32>
    %reduce_sum3A_601 = vector.shape_cast %reduce_sum3A_600 : vector<1xf32> to vector<1x1x1xf32>
    %reduce_sum3A_602 = vector.extract %reduce_sum3A_601[0, 0, 0] : f32 from vector<1x1x1xf32>
    %mul3A_603 = arith.constant 9.765625E-4 : f32
    %mul3A_604 = arith.mulf %reduce_sum3A_602, %mul3A_603 : f32
    %reshape3A = vector.broadcast %mul3A_604 : f32 to vector<1x1xf32>
    %swap3A = arith.constant 0 : index
    %swap3A_605 = arith.constant 0 : index
    %swap3A_606 = vector.load %arg6[%swap3A, %swap3A_605] : memref<1x1xf32, #tpu.memory_space<vmem>>, vector<1x1xf32>
    tpu.vector_store %arg6[%swap3A, %swap3A_605], %reshape3A {strides = array<i32>} : memref<1x1xf32, #tpu.memory_space<vmem>>, vector<1x1xf32>,
    return
  }
}

</mosaic_0001>

<sc_bundles>
// kernel: kernel.4.cloned.1.call-start
scs
__scs_entry_jumppad:
0x0: {  	(pc) =	sbr.rel $0x88, $3  }
0x1: {  	(tag) =	ssettag $0x0;
	lr =	simm.s32 $0x1  }
0x2: {  	[smem:$0x3F9E] =	sst lr;
	_ =	strace $0xD0000000  }
0x3: {  	_ = 	snop  }
0x4: {  	_ = 	snop  }
0x5: {  	_ = 	snop  }
0x6: {  	_ = 	snop  }
0x7: {  	_ = 	snop  }
__scs_overlays_trampoline_lowered:
0x8: {  	[smem:$0x3FAD] =	sst s0  }
0x9: {  	[smem:$0x3FAE] =	sst s1  }
0xa: {  	[smem:$0x3FAF] =	sst s2  }
0xb: {  	[smem:$0x3FB0] =	sst s3  }
0xc: {  	[smem:$0x3FB1] =	sst s4  }
0xd: {  	[smem:$0x3FB2] =	sst s5  }
0xe: {  	[smem:$0x3FB3] =	sst s6  }
0xf: {  	[smem:$0x3FB4] =	sst s7  }
0x10: {  	[smem:$0x3FB5] =	sst s8  }
0x11: {  	[smem:$0x3FB6] =	sst s9;
	s0 =	simm.s32 @!p0 $0x0  }
0x12: {  	s1 =	sld [smem:$0x3F9C];
	s0 =	simm.s32 @p0 $0x1  }
0x13: {  	[smem:$0x3FB7] =	sst s0;
	s0 =	simm.s32 @!p1 $0x0  }
0x14: {  	s2 =	sld [smem:$0x3F9B];
	s0 =	simm.s32 @p1 $0x1  }
0x15: {  	[smem:$0x3FB8] =	sst s0;
	s0 =	simm.s32 @!p2 $0x0  }
0x16: {  	s3 =	sld [smem:$0x3FDB];
	s0 =	simm.s32 @p2 $0x1  }
0x17: {  	s4 =	simm.s32 $0x1BF5;
	[smem:$0x3FBA] =	sst s0  }
0x18: {  	s0 =	sld [smem:$0x3F9D];
	_ =	swait.ge [sflag:s4], $0x0  }
0x19: {  	s7 =	sld [smem:$0x3F9E]  }
0x1a: {  	s8 =	sadd.s32 $0xFFFFE003, lr  }
0x1b: {  	s9 =	sadd.s32 $0xFFFFFEF7, lr;
	s5 =	simm.s32 $0xFFFFFFFF;
	p2 =	slt.u32 s8, $0xFFFFF086  }
0x1c: {  	p1 =	slt.u32 s9, $0xF7A;
	s5 =	simm.s32 @!p2 $0x0  }
0x1d: {  	s5 =	simm.s32 @p1 $0x1;
	p0 =	seq.s32 s7, s2  }
0x1e: {  	s7 =	smul.u32 @!p0 $0xF7A, s2;
	p2 =	seq.s32 @!p0 s5, $0x0  }
0x1f: {  	s9 =	smul.u32 $0xF7A, s1;
	s8 =	simm.s32 @!p0 $0x1BF5;
	p2 =	por !p2, p0  }
0x20: {  	[sflag:s8] =	ssyncset.s32 @!p0 $0xFFFFF086;
	s6 =	sadd.s32 @!p0 s3, s7;
	s7 =	simm.s32 @!p0 $0x108  }
0x21: {  	s3 =	sadd.s32 s3, s9;
	s6 =	sadd.s32 @!p0 $0x88, s6;
	s7 =	simm.s32 @p2 $0x1082  }
0x22: {  	[simem:s7], [sflag:s8] =	dma.local @!p0 [hbm:s6], $0xF7A  }
0x23: {  	s9 =	sor.u32 $0xD0000000, s2;
	s6 =	simm.s32 $0x108;
	_ =	swait.ge @!p0 [sflag:s8], $0x0  }
0x24: {  	s3 =	sadd.s32 $0x88, s3;
	s6 =	simm.s32 @!p1 $0x1082;
	[sflag:s4] =	ssyncset.s32 $0xFFFFF086  }
0x25: {  	[simem:s6], [sflag:s4] =	dma.local [hbm:s3], $0xF7A  }
0x26: {  	[smem:$0x3F9E] =	sst s1;
	(tag) =	ssettag s2;
	_ =	strace s9  }
0x27: {  	s1 =	sld [smem:$0x3FAE]  }
0x28: {  	s2 =	sld [smem:$0x3FAF]  }
0x29: {  	s4 =	sld [smem:$0x3FB1]  }
0x2a: {  	p0 =	seq.s32 s5, $0x0;
	s5 =	sld [smem:$0x3FB2]  }
0x2b: {  	s6 =	sld [smem:$0x3FB3]  }
0x2c: {  	s7 =	sld [smem:$0x3FB4]  }
0x2d: {  	s3 =	simm.s32 $0x108;
	s8 =	sld [smem:$0x3FB5]  }
0x2e: {  	s3 =	simm.s32 @!p0 $0x1082;
	s9 =	sld [smem:$0x3FB6]  }
0x2f: {  	lr =	sadd.s32 s0, s3;
	s0 =	sld [smem:$0x3FAD]  }
0x30: {  	s3 =	sld [smem:$0x3FB0]  }
0x31: {  	[smem:$0x3FB9] =	sst s10  }
0x32: {  	s10 =	sld [smem:$0x3FB7];
	_ =	sdelay $0x3  }
0x33: {  	p0 =	seq.s32 s10, $0x1;
	s10 =	sld [smem:$0x3FB9];
	_ =	sdelay $0x3  }
0x34: {  	[smem:$0x3FB9] =	sst s10  }
0x35: {  	s10 =	sld [smem:$0x3FB8];
	_ =	sdelay $0x3  }
0x36: {  	p1 =	seq.s32 s10, $0x1;
	s10 =	sld [smem:$0x3FB9];
	_ =	sdelay $0x3  }
0x37: {  	[smem:$0x3FB9] =	sst s10  }
0x38: {  	s10 =	sld [smem:$0x3FBA]  }
0x39: {  	_ = 	snop;
	(pc) =	sbr.ind lr, $3  }
0x3a: {  	_ = 	snop  }
0x3b: {  	_ = 	snop  }
0x3c: {  	p2 =	seq.s32 s10, $0x1;
	s10 =	sld [smem:$0x3FB9]  }
0x3d: {  	_ =	shalt  }
0x3e: {  	_ =	shalt  }
0x3f: {  	_ =	shalt  }
0x40: {  	_ =	shalt  }
0x41: {  	_ =	shalt  }
0x42: {  	_ =	shalt  }
0x43: {  	_ =	shalt  }
0x44: {  	_ =	shalt  }
0x45: {  	_ =	shalt  }
0x46: {  	_ =	shalt  }
0x47: {  	_ =	shalt  }
0x48: {  	_ =	shalt  }
0x49: {  	_ =	shalt  }
0x4a: {  	_ =	shalt  }
0x4b: {  	_ =	shalt  }
0x4c: {  	_ =	shalt  }
0x4d: {  	_ =	shalt  }
0x4e: {  	_ =	shalt  }
0x4f: {  	_ =	shalt  }
0x50: {  	_ =	shalt  }
0x51: {  	_ =	shalt  }
0x52: {  	_ =	shalt  }
0x53: {  	_ =	shalt  }
0x54: {  	_ =	shalt  }
0x55: {  	_ =	shalt  }
0x56: {  	_ =	shalt  }
0x57: {  	_ =	shalt  }
0x58: {  	_ =	shalt  }
0x59: {  	_ =	shalt  }
0x5a: {  	_ =	shalt  }
0x5b: {  	_ =	shalt  }
0x5c: {  	_ =	shalt  }
0x5d: {  	_ =	shalt  }
0x5e: {  	_ =	shalt  }
0x5f: {  	_ =	shalt  }
0x60: {  	_ =	shalt  }
0x61: {  	_ =	shalt  }
0x62: {  	_ =	shalt  }
0x63: {  	_ =	shalt  }
0x64: {  	_ =	shalt  }
0x65: {  	_ =	shalt  }
0x66: {  	_ =	shalt  }
0x67: {  	_ =	shalt  }
0x68: {  	_ =	shalt  }
0x69: {  	_ =	shalt  }
0x6a: {  	_ =	shalt  }
0x6b: {  	_ =	shalt  }
0x6c: {  	_ =	shalt  }
0x6d: {  	_ =	shalt  }
0x6e: {  	_ =	shalt  }
0x6f: {  	_ =	shalt  }
0x70: {  	_ =	shalt  }
0x71: {  	_ =	shalt  }
0x72: {  	_ =	shalt  }
0x73: {  	_ =	shalt  }
0x74: {  	_ =	shalt  }
0x75: {  	_ =	shalt  }
0x76: {  	_ =	shalt  }
0x77: {  	_ =	shalt  }
0x78: {  	_ =	shalt  }
0x79: {  	_ =	shalt  }
0x7a: {  	_ =	shalt  }
0x7b: {  	_ =	shalt  }
0x7c: {  	_ =	shalt  }
0x7d: {  	_ =	shalt  }
0x7e: {  	_ =	shalt  }
0x7f: {  	_ =	shalt  }
0x80: {  	_ =	shalt  }
0x81: {  	_ =	shalt  }
0x82: {  	_ =	shalt  }
0x83: {  	_ =	shalt  }
0x84: {  	_ =	shalt  }
0x85: {  	_ =	shalt  }
0x86: {  	_ =	shalt  }
0x87: {  	_ =	shalt  }
.Lfunc_end0:
.L_simem_size_0:
called_computation_lowered:
.L_overlay_start_0:
0x88: {  	s2 =	sld [smem:$0x3FD9]  }
0x89: {  	s3 =	sld [smem:$0x3FFE];
	_ =	sdelay $0x1  }
0x8a: {  	s1 =	srdreg.scid  }
0x8b: {  	s0 =	sand.u32 $0x1, s1  }
0x8c: {  	s17 =	sshll.u32 s0, $0xA;
	s2 =	sadd.s32 s3, s2  }
0x8d: {  	s2 =	sadd.s32 s2, s17  }
0x8e: {  	[smem:$0x3FC5] =	sst s2  }
0x8f: {  	_ = 	snop  }
0x90: {  	s2 =	sld [smem:$0x3FC7];
	(tm) =	ssettm $0x1  }
0x91: {  	s18 =	sld [smem:$0x3FFB];
	_ =	sdelay $0x3  }
0x92: {  	_ =	strace s18  }
0x93: {  	s3 =	sld [smem:$0x3FFC];
	_ =	sdelay $0x3  }
0x94: {  	_ =	strace s3  }
0x95: {  	s3 =	sld [smem:$0x3FFD];
	_ =	sdelay $0x3  }
0x96: {  	_ =	strace s3  }
0x97: {  	_ =	strace $0x8FFFFFFF  }
0x98: {  	s19 =	sld [smem:$0x3FDB];
	_ =	sdelay $0x1  }
0x99: {  	s4 =	simm.s32 $_scs_section_size  }
0x9a: {  	s5 =	simm.s32 $_size__tile_overlayer_lowered;
	s6 =	simm.s32 $_tile_overlayer_lowered  }
0x9b: {  	s22 =	simm.s32 $0x1BFF;
	s21 =	sshll.u32 s6, $0x1;
	s3 =	sadd.s32 s4, s19  }
0x9c: {  	s7 =	simm.s32 $0x0;
	s20 =	sshll.u32 s5, $0x1;
	s5 =	sadd.s32 s21, s3  }
0x9d: {  	[timem:s7], [sflag:s22] =	dma.local [hbm:s5], s20  }
0x9e: {  	_ =	swait.ge [sflag:s22], s20  }
0x9f: {  	s4 =	ssub.s32 $0x0, s20;
	[sflag:s22] =	ssyncset.done $0x0  }
0xa0: {  	[sflag:s22] =	ssyncadd.s32 s4;
	_ =	sdelay $0x1  }
0xa1: {  	s23 =	simm.s32 $0x1B8B  }
0xa2: {  	_ =	swait.ge [sflag:s23], $0x1  }
0xa3: {  	[sflag:s23] =	ssyncset.done $0x0  }
0xa4: {  	s25 =	simm.s32 $0x1B8E;
	s24 =	sld [smem:$0x3FFE];
	[sflag:s23] =	ssyncadd.s32 $0xFFFFFFFF  }
0xa5: {  	s26 =	simm.s32 $execute0_lowered;
	[smem:$0x3FD2] =	sst s25  }
0xa6: {  	s5 =	sshll.u32 s26, $0x1;
	_ =	strace $0x80000046;
	[dreg:$0x1] =	wrdreg $0xFFFFFFFF  }
0xa7: {  	s28 =	simm.s32 $_size_execute0_lowered;
	s3 =	sadd.s32 s3, s5;
	[dreg:$0x0] =	wrdreg $0x0  }
0xa8: {  	s5 =	sshll.u32 s28, $0x1;
	[dreg:$0x2] =	wrdreg s3  }
0xa9: {  	[dreg:$0x3] =	wrdreg s5  }
0xaa: {  	[dreg:$0x4] =	wrdreg $0xC0  }
0xab: {  	_ =	task [dreg:s7], $0x5FFFF  }
0xac: {  	[dreg:$0x1] =	wrdreg $0xFFFFFFFF  }
0xad: {  	[dreg:$0x0] =	wrdreg $0x60  }
0xae: {  	[dreg:$0x2] =	wrdreg s2  }
0xaf: {  	[dreg:$0x3] =	wrdreg s24  }
0xb0: {  	[dreg:$0x4] =	wrdreg $0x9  }
0xb1: {  	_ =	task.clear_ibuf [dreg:s7], $0x5FFFF;
	_ =	strace $0x90000046  }
0xb2: {  	s29 =	simm.s32 $0x9;
	_ =	strace $0x80000048  }
0xb3: {  	_ =	swait.ge [sflag:s29], $0x1  }
0xb4: {  	[sflag:s29] =	ssyncadd.s32 $0xFFFFFFFF  }
0xb5: {  	_ =	strace $0x90000048  }
0xb6: {  	_ =	sfence  }
0xb7: {  	s30 =	sld [smem:$0x0];
	_ =	sdelay $0x2  }
0xb8: {  	s31 =	sshll.u32 s1, $0xD;
	s1 =	sshrl.u32 s1, $0x2  }
0xb9: {  	s3 =	sand.u32 $0x4000, s31;
	s1 =	sadd.s32 s1, s30  }
0xba: {  	s0 =	sor.u32 s3, s0;
	s1 =	sshll.u32 s1, $0x11  }
0xbb: {  	s0 =	sor.u32 s1, s0  }
0xbc: {  	s0 =	sadd.s32 $0x8F2B, s0  }
0xbd: {  	[sflag:s0] =	ssyncadd.remote.s32 $0x1  }
0xbe: {  	_ =	sfence.sel $0xFFFF  }
0xbf: {  	[dreg:$0x0] =	wrdreg $0xFFFFFFFF;
	(pc) =	sbr.abs _section_cstart, $3  }
0xc0: {  	[dreg:$0x1] =	wrdreg $0xFFFFFFFF  }
0xc1: {  	_ =	task.clear_ibuf [dreg:s7], $0x2FFFF;
	_ =	strace $0x9FFFFFFF  }
0xc2: {  	(tm) =	ssettm $0x7FFFFFFF  }
0xc3: {  	_ =	shalt  }
tec
execute0_lowered:
.L_overlay_start_1:
0x0: {  	(tag) =	ssettag $0x1  }
0x1: {  	s1 =	srdreg.scid  }
0x2: {  	s1 =	sand.u32 $0x1, s1  }
0x3: {  	p0 =	seq.s32 s1, $0x1  }
.Ltmp0:
0x4: {  	_ = 	snop;
	(pc) =	sbr.rel @p0 .LBB2_9-.Ltmp0, $4  }
0x5: {  	s2 =	rddreg [dreg:$0x0]  }
0x6: {  	s3 =	rddreg [dreg:$0x1];
	s4 =	simm.s32 $0x0  }
0x7: {  	[smem:$0x7FF] =	sst s4  }
0x8: {  	s0 =	rddreg [dreg:$0x2];
	_ =	strace $0x80000047;
	s1 =	stileid.u32  }
0x9: {  	s5 =	sshll.u32 s1, $0x3  }
0xa: {  	s30 =	simm.s32 $0x1;
	s2 =	sadd.s32 s2, s5  }
0xb: {  	[tilespmem:s4], [sflag:$0x1] =	stream.linear.gather [hbm4b:s2+s4], $0x40, $0x38;
	[tilespmem:$0x1400] =	vst v63  }
0xc: {  	_ =	swait.ge [sflag:s30], $0x40  }
0xd: {  	[sflag:s30] =	ssyncset.done $0x0  }
0xe: {  	v0 =	vimm.s32 $0x0;
	[sflag:s30] =	ssyncadd.s32 $0xFFFFFFC0  }
0xf: {  	[tilespmem:$0x80] =	vst v0  }
0x10: {  	[tilespmem:$0x90] =	vst v0  }
0x11: {  	[tilespmem:$0xA0] =	vst v0  }
0x12: {  	[tilespmem:$0xB0] =	vst v0  }
0x13: {  	[tilespmem:$0xC0] =	vst v0  }
0x14: {  	[tilespmem:$0xD0] =	vst v0  }
0x15: {  	[tilespmem:$0xE0] =	vst v0  }
0x16: {  	[tilespmem:$0xF0] =	vst v0  }
0x17: {  	[tilespmem:$0x100] =	vst v0  }
0x18: {  	[tilespmem:$0x110] =	vst v0  }
0x19: {  	[tilespmem:$0x120] =	vst v0  }
0x1a: {  	[tilespmem:$0x130] =	vst v0  }
0x1b: {  	[tilespmem:$0x140] =	vst v0  }
0x1c: {  	[tilespmem:$0x150] =	vst v0  }
0x1d: {  	s6 =	sshll.u32 s1, $0x5;
	s7 =	simm.s32 $0x4;
	[tilespmem:$0x160] =	vst v0  }
0x1e: {  	s31 =	sadd.s32 s5, s3;
	s4 =	sadd.s32 $0xA00, s3;
	s2 =	sadd.s32 $0xC00, s3;
	[tilespmem:$0x170] =	vst v0  }
0x1f: {  	vm0 =	vmmov $0x1;
	s3 =	sadd.s32 $0xE00, s31;
	s5 =	sadd.s32 s4, s6;
	s6 =	simm.s32 $0x0;
	[tilespmem:$0x180] =	vst v0;
	v0 =	vlaneseq.u32  }
.LBB2_2:
0x20: {  	p0 =	sne.s32 s7, $0xFC;
	v1 =	vld [tilespmem:s6+$0x0];
	_ =	sdelay $0x4  }
0x21: {  	(v2sf) =	vpush v1, $0x0;
	_ =	sdelay $0xe  }
0x22: {  	s8 =	spop (v2sf)  }
0x23: {  	v1 =	vld [tilespmem:s8+$0x80];
	_ =	sdelay $0x4  }
0x24: {  	(v2sf) =	vpush v1, $0x0;
	_ =	sdelay $0xa  }
0x25: {  	v2 =	vld [tilespmem:s6+$0x200];
	_ =	sdelay $0x2  }
.Ltmp1:
0x26: {  	(pc) =	sbr.rel @p0 .LBB2_2-.Ltmp1, $4  }
0x27: {  	s9 =	spop (v2sf)  }
0x28: {  	vm1 =	veq.s32 v0, $0x0;
	v2 =	vsel vm0, v1, v2;
	s9 =	sadd.s32 $0x1, s9  }
0x29: {  	[tilespmem:s6+$0x200] =	vst v2;
	v1 =	vsel vm1, s9, v1  }
0x2a: {  	s6 =	sshra.s32 s7, $0x2;
	s7 =	sadd.s32 $0x4, s7;
	[tilespmem:s8+$0x80] =	vst v1  }
0x2b: {  	v0 =	vld [tilespmem:s6+$0x0];
	_ =	sdelay $0x4  }
0x2c: {  	(v2sf) =	vpush v0, $0x0;
	_ =	sdelay $0xe  }
0x2d: {  	s7 =	spop (v2sf)  }
0x2e: {  	v0 =	vld [tilespmem:s7+$0x80];
	_ =	sdelay $0x4  }
0x2f: {  	(v2sf) =	vpush v0, $0x0;
	_ =	sdelay $0xa  }
0x30: {  	v1 =	vld [tilespmem:s6+$0x200];
	_ =	sdelay $0x3  }
0x31: {  	s8 =	spop (v2sf)  }
0x32: {  	v1 =	vsel vm0, v0, v1;
	s8 =	sadd.s32 $0x1, s8  }
0x33: {  	[tilespmem:s6+$0x200] =	vst v1;
	v0 =	vsel vm1, s8, v0  }
0x34: {  	s28 =	simm.s32 $0x0;
	s29 =	simm.s32 $0x80;
	s30 =	simm.s32 $0x1;
	[tilespmem:s7+$0x80] =	vst v0  }
0x35: {  	[hbm4b:s5+s28] =	stream.linear.scatter [tilespmem:s29], [sflag:$0x1], $0x100, $0x38;
	[tilespmem:$0x1400] =	vst v63  }
0x36: {  	_ =	swait.ge [sflag:s30], $0x100  }
0x37: {  	[sflag:s30] =	ssyncset.done $0x0  }
0x38: {  	[sflag:s30] =	ssyncadd.s32 $0xFFFFFF00  }
0x39: {  	s31 =	simm.s32 $0x280;
	[bflag:$0x0] =	sbarrier.arrive $0xFFFF  }
0x3a: {  	[tilespmem:s31], [sflag:$0x1] =	stream.linear.gather [hbm4b:s4+s28], $0x1000, $0x38;
	[tilespmem:$0x1400] =	vst v63  }
0x3b: {  	_ =	swait.ge [sflag:s30], $0x1000  }
0x3c: {  	[sflag:s30] =	ssyncset.done $0x0  }
0x3d: {  	v0 =	vimm.s32 $0x0;
	[sflag:s30] =	ssyncadd.s32 $0xFFFFF000  }
0x3e: {  	[tilespmem:$0x1280] =	vst v0  }
0x3f: {  	[tilespmem:$0x1290] =	vst v0  }
0x40: {  	[tilespmem:$0x12A0] =	vst v0  }
0x41: {  	[tilespmem:$0x12B0] =	vst v0  }
0x42: {  	[tilespmem:$0x12C0] =	vst v0  }
0x43: {  	[tilespmem:$0x12D0] =	vst v0  }
0x44: {  	[tilespmem:$0x12E0] =	vst v0  }
0x45: {  	[tilespmem:$0x12F0] =	vst v0  }
0x46: {  	[tilespmem:$0x1300] =	vst v0  }
0x47: {  	[tilespmem:$0x1310] =	vst v0  }
0x48: {  	[tilespmem:$0x1320] =	vst v0  }
0x49: {  	[tilespmem:$0x1330] =	vst v0  }
0x4a: {  	[tilespmem:$0x1340] =	vst v0  }
0x4b: {  	[tilespmem:$0x1350] =	vst v0  }
0x4c: {  	[tilespmem:$0x1360] =	vst v0  }
0x4d: {  	p0 =	sle.u32 s1, $0x0;
	s4 =	simm.s32 $0x300;
	[tilespmem:$0x1370] =	vst v0  }
0x4e: {  	v1 =	vld @!p0 [tilespmem:s4+$0xFFFFFF80];
	_ =	sdelay $0x4  }
0x4f: {  	v1 =	vadd.s32 @!p0 v0, v1  }
0x50: {  	[tilespmem:$0x1280] =	vst @!p0 v1  }
0x51: {  	v2 =	vld @!p0 [tilespmem:s4+$0xFFFFFF90];
	_ =	sdelay $0x4  }
0x52: {  	v2 =	vadd.s32 @!p0 v0, v2  }
0x53: {  	[tilespmem:$0x1290] =	vst @!p0 v2  }
0x54: {  	v3 =	vld @!p0 [tilespmem:s4+$0xFFFFFFA0];
	_ =	sdelay $0x4  }
0x55: {  	v3 =	vadd.s32 @!p0 v0, v3  }
0x56: {  	[tilespmem:$0x12A0] =	vst @!p0 v3  }
0x57: {  	v4 =	vld @!p0 [tilespmem:s4+$0xFFFFFFB0];
	_ =	sdelay $0x4  }
0x58: {  	v4 =	vadd.s32 @!p0 v0, v4  }
0x59: {  	[tilespmem:$0x12B0] =	vst @!p0 v4  }
0x5a: {  	v5 =	vld @!p0 [tilespmem:s4+$0xFFFFFFC0];
	_ =	sdelay $0x4  }
0x5b: {  	v5 =	vadd.s32 @!p0 v0, v5  }
0x5c: {  	[tilespmem:$0x12C0] =	vst @!p0 v5  }
0x5d: {  	v6 =	vld @!p0 [tilespmem:s4+$0xFFFFFFD0];
	_ =	sdelay $0x4  }
0x5e: {  	v6 =	vadd.s32 @!p0 v0, v6  }
0x5f: {  	[tilespmem:$0x12D0] =	vst @!p0 v6  }
0x60: {  	v7 =	vld @!p0 [tilespmem:s4+$0xFFFFFFE0];
	_ =	sdelay $0x4  }
0x61: {  	v7 =	vadd.s32 @!p0 v0, v7  }
0x62: {  	[tilespmem:$0x12E0] =	vst @!p0 v7  }
0x63: {  	v8 =	vld @!p0 [tilespmem:s4+$0xFFFFFFF0];
	_ =	sdelay $0x4  }
0x64: {  	v8 =	vadd.s32 @!p0 v0, v8  }
0x65: {  	[tilespmem:$0x12F0] =	vst @!p0 v8  }
0x66: {  	v9 =	vld @!p0 [tilespmem:s4+$0x0];
	_ =	sdelay $0x4  }
0x67: {  	v9 =	vadd.s32 @!p0 v0, v9  }
0x68: {  	[tilespmem:$0x1300] =	vst @!p0 v9  }
0x69: {  	v10 =	vld @!p0 [tilespmem:s4+$0x10];
	_ =	sdelay $0x4  }
0x6a: {  	v10 =	vadd.s32 @!p0 v0, v10  }
0x6b: {  	[tilespmem:$0x1310] =	vst @!p0 v10  }
0x6c: {  	v11 =	vld @!p0 [tilespmem:s4+$0x20];
	_ =	sdelay $0x4  }
0x6d: {  	v11 =	vadd.s32 @!p0 v0, v11  }
0x6e: {  	[tilespmem:$0x1320] =	vst @!p0 v11  }
0x6f: {  	v12 =	vld @!p0 [tilespmem:s4+$0x30];
	_ =	sdelay $0x4  }
0x70: {  	v12 =	vadd.s32 @!p0 v0, v12  }
0x71: {  	[tilespmem:$0x1330] =	vst @!p0 v12  }
0x72: {  	v13 =	vld @!p0 [tilespmem:s4+$0x40];
	_ =	sdelay $0x4  }
0x73: {  	v13 =	vadd.s32 @!p0 v0, v13  }
0x74: {  	[tilespmem:$0x1340] =	vst @!p0 v13  }
0x75: {  	v14 =	vld @!p0 [tilespmem:s4+$0x50];
	_ =	sdelay $0x4  }
0x76: {  	v14 =	vadd.s32 @!p0 v0, v14  }
0x77: {  	[tilespmem:$0x1350] =	vst @!p0 v14  }
0x78: {  	v15 =	vld @!p0 [tilespmem:s4+$0x60];
	_ =	sdelay $0x4  }
0x79: {  	v15 =	vadd.s32 @!p0 v0, v15  }
0x7a: {  	[tilespmem:$0x1360] =	vst @!p0 v15  }
0x7b: {  	v1 =	vpsel p0, v0, v1;
	v16 =	vld @!p0 [tilespmem:s4+$0x70]  }
0x7c: {  	v2 =	vpsel p0, v0, v2;
	v3 =	vpsel p0, v0, v3;
	v4 =	vpsel p0, v0, v4  }
0x7d: {  	v5 =	vpsel p0, v0, v5;
	v6 =	vpsel p0, v0, v6;
	v7 =	vpsel p0, v0, v7  }
0x7e: {  	v8 =	vpsel p0, v0, v8;
	v9 =	vpsel p0, v0, v9;
	v10 =	vpsel p0, v0, v10  }
0x7f: {  	v11 =	vpsel p0, v0, v11;
	v12 =	vpsel p0, v0, v12;
	v13 =	vpsel p0, v0, v13  }
0x80: {  	s5 =	simm.s32 $0x1;
	v14 =	vpsel p0, v0, v14;
	v15 =	vpsel p0, v0, v15;
	v16 =	vadd.s32 @!p0 v0, v16  }
.LBB2_4:
0x81: {  	[tilespmem:$0x1370] =	vst @!p0 v16;
	v0 =	vpsel p0, v0, v16;
	p0 =	sge.u32 s5, s1;
	s5 =	sadd.s32 $0x1, s5;
	s4 =	sadd.s32 $0x100, s4  }
0x82: {  	v16 =	vld @!p0 [tilespmem:s4+$0xFFFFFF80];
	p1 =	sne.s32 s5, $0x10;
	_ =	sdelay $0x4  }
0x83: {  	v16 =	vadd.s32 @!p0 v1, v16  }
0x84: {  	[tilespmem:$0x1280] =	vst @!p0 v16;
	v1 =	vpsel p0, v1, v16  }
0x85: {  	v16 =	vld @!p0 [tilespmem:s4+$0xFFFFFF90];
	_ =	sdelay $0x4  }
0x86: {  	v16 =	vadd.s32 @!p0 v2, v16  }
0x87: {  	[tilespmem:$0x1290] =	vst @!p0 v16;
	v2 =	vpsel p0, v2, v16  }
0x88: {  	v16 =	vld @!p0 [tilespmem:s4+$0xFFFFFFA0];
	_ =	sdelay $0x4  }
0x89: {  	v16 =	vadd.s32 @!p0 v3, v16  }
0x8a: {  	[tilespmem:$0x12A0] =	vst @!p0 v16;
	v3 =	vpsel p0, v3, v16  }
0x8b: {  	v16 =	vld @!p0 [tilespmem:s4+$0xFFFFFFB0];
	_ =	sdelay $0x4  }
0x8c: {  	v16 =	vadd.s32 @!p0 v4, v16  }
0x8d: {  	[tilespmem:$0x12B0] =	vst @!p0 v16;
	v4 =	vpsel p0, v4, v16  }
0x8e: {  	v16 =	vld @!p0 [tilespmem:s4+$0xFFFFFFC0];
	_ =	sdelay $0x4  }
0x8f: {  	v16 =	vadd.s32 @!p0 v5, v16  }
0x90: {  	[tilespmem:$0x12C0] =	vst @!p0 v16;
	v5 =	vpsel p0, v5, v16  }
0x91: {  	v16 =	vld @!p0 [tilespmem:s4+$0xFFFFFFD0];
	_ =	sdelay $0x4  }
0x92: {  	v16 =	vadd.s32 @!p0 v6, v16  }
0x93: {  	[tilespmem:$0x12D0] =	vst @!p0 v16;
	v6 =	vpsel p0, v6, v16  }
0x94: {  	v16 =	vld @!p0 [tilespmem:s4+$0xFFFFFFE0];
	_ =	sdelay $0x4  }
0x95: {  	v16 =	vadd.s32 @!p0 v7, v16  }
0x96: {  	[tilespmem:$0x12E0] =	vst @!p0 v16;
	v7 =	vpsel p0, v7, v16  }
0x97: {  	v16 =	vld @!p0 [tilespmem:s4+$0xFFFFFFF0];
	_ =	sdelay $0x4  }
0x98: {  	v16 =	vadd.s32 @!p0 v8, v16  }
0x99: {  	[tilespmem:$0x12F0] =	vst @!p0 v16;
	v8 =	vpsel p0, v8, v16  }
0x9a: {  	v16 =	vld @!p0 [tilespmem:s4+$0x0];
	_ =	sdelay $0x4  }
0x9b: {  	v16 =	vadd.s32 @!p0 v9, v16  }
0x9c: {  	[tilespmem:$0x1300] =	vst @!p0 v16;
	v9 =	vpsel p0, v9, v16  }
0x9d: {  	v16 =	vld @!p0 [tilespmem:s4+$0x10];
	_ =	sdelay $0x4  }
0x9e: {  	v16 =	vadd.s32 @!p0 v10, v16  }
0x9f: {  	[tilespmem:$0x1310] =	vst @!p0 v16;
	v10 =	vpsel p0, v10, v16  }
0xa0: {  	v16 =	vld @!p0 [tilespmem:s4+$0x20];
	_ =	sdelay $0x4  }
0xa1: {  	v16 =	vadd.s32 @!p0 v11, v16  }
0xa2: {  	[tilespmem:$0x1320] =	vst @!p0 v16;
	v11 =	vpsel p0, v11, v16  }
0xa3: {  	v16 =	vld @!p0 [tilespmem:s4+$0x30];
	_ =	sdelay $0x4  }
0xa4: {  	v16 =	vadd.s32 @!p0 v12, v16  }
0xa5: {  	[tilespmem:$0x1330] =	vst @!p0 v16;
	v12 =	vpsel p0, v12, v16  }
0xa6: {  	v16 =	vld @!p0 [tilespmem:s4+$0x40];
	_ =	sdelay $0x4  }
0xa7: {  	v16 =	vadd.s32 @!p0 v13, v16  }
0xa8: {  	[tilespmem:$0x1340] =	vst @!p0 v16;
	v13 =	vpsel p0, v13, v16  }
0xa9: {  	v16 =	vld @!p0 [tilespmem:s4+$0x50];
	_ =	sdelay $0x4  }
0xaa: {  	v16 =	vadd.s32 @!p0 v14, v16  }
0xab: {  	[tilespmem:$0x1350] =	vst @!p0 v16;
	v14 =	vpsel p0, v14, v16  }
0xac: {  	v16 =	vld @!p0 [tilespmem:s4+$0x60];
	_ =	sdelay $0x4  }
0xad: {  	v16 =	vadd.s32 @!p0 v15, v16  }
0xae: {  	[tilespmem:$0x1360] =	vst @!p0 v16;
	v15 =	vpsel p0, v15, v16  }
0xaf: {  	v16 =	vld @!p0 [tilespmem:s4+$0x70]  }
.Ltmp2:
0xb0: {  	(pc) =	sbr.rel @p1 .LBB2_4-.Ltmp2, $2  }
0xb1: {  	_ =	sdelay $0x2  }
0xb2: {  	v16 =	vadd.s32 @!p0 v0, v16  }
0xb3: {  	[tilespmem:$0x1370] =	vst @!p0 v16;
	s4 =	simm.s32 $0x0  }
0xb4: {  	v0 =	vld [tilespmem:s4+$0x0];
	_ =	sdelay $0x4  }
0xb5: {  	(v2sf) =	vpush v0, $0x0;
	_ =	sdelay $0xe  }
0xb6: {  	s5 =	spop (v2sf)  }
0xb7: {  	v2 =	vld [tilespmem:s5+$0x1280]  }
0xb8: {  	v0 =	vld [tilespmem:s4+$0x200];
	_ =	sdelay $0x1  }
0xb9: {  	s5 =	simm.s32 $0x1  }
0xba: {  	v1 =	vlaneseq.u32;
	s6 =	simm.s32 $0x8;
	v3 =	vld [tilespmem:s5+$0x0]  }
.LBB2_6:
0xbb: {  	p0 =	sne.s32 s6, $0xFC;
	(v2sf) =	vpush v2, $0x0  }
0xbc: {  	(v2sf) =	vpush v0, $0x0;
	_ =	sdelay $0x2  }
0xbd: {  	(v2sf) =	vpush v3, $0x0;
	_ =	sdelay $0xa  }
0xbe: {  	s7 =	spop (v2sf)  }
0xbf: {  	s8 =	spop (v2sf)  }
0xc0: {  	vm0 =	veq.s32 v1, $0x0;
	s7 =	sadd.s32 s7, s8  }
0xc1: {  	v0 =	vsel vm0, s7, v0  }
0xc2: {  	s7 =	spop (v2sf);
	[tilespmem:s4+$0x200] =	vst v0;
	s4 =	smov.u32 s5  }
.Ltmp3:
0xc3: {  	v2 =	vld [tilespmem:s7+$0x1280];
	(pc) =	sbr.rel @p0 .LBB2_6-.Ltmp3, $3  }
0xc4: {  	v0 =	vld [tilespmem:s4+$0x200];
	_ =	sdelay $0x1  }
0xc5: {  	s5 =	sshra.s32 s6, $0x2  }
0xc6: {  	s6 =	sadd.s32 $0x4, s6;
	v3 =	vld [tilespmem:s5+$0x0]  }
0xc7: {  	(v2sf) =	vpush v2, $0x0  }
0xc8: {  	(v2sf) =	vpush v0, $0x0;
	_ =	sdelay $0x2  }
0xc9: {  	(v2sf) =	vpush v3, $0x0;
	_ =	sdelay $0xa  }
0xca: {  	s6 =	spop (v2sf)  }
0xcb: {  	s7 =	spop (v2sf)  }
0xcc: {  	s6 =	sadd.s32 s6, s7  }
0xcd: {  	v62 =	vsel vm0, s6, v0  }
0xce: {  	s28 =	spop (v2sf);
	[tilespmem:s4+$0x200] =	vst v62  }
0xcf: {  	v0 =	vld [tilespmem:s28+$0x1280]  }
0xd0: {  	v1 =	vld [tilespmem:s5+$0x200];
	_ =	sdelay $0x3  }
0xd1: {  	(v2sf) =	vpush v0, $0x0  }
0xd2: {  	(v2sf) =	vpush v1, $0x0;
	_ =	sdelay $0xd  }
0xd3: {  	s29 =	spop (v2sf)  }
0xd4: {  	s30 =	spop (v2sf)  }
0xd5: {  	s4 =	sadd.s32 s29, s30  }
0xd6: {  	v63 =	vsel vm0, s4, v1  }
0xd7: {  	s31 =	simm.s32 $0x200;
	p0 =	sne.s32 s1, $0xF;
	s4 =	simm.s32 $0x0;
	[tilespmem:s5+$0x200] =	vst v63  }
0xd8: {  	[hbm4b:s3+s4] =	stream.linear.scatter [tilespmem:s31], [sflag:$0x1], $0x40, $0x38;
	[tilespmem:$0x1400] =	vst v63  }
.Ltmp4:
0xd9: {  	_ = 	snop;
	(pc) =	sbr.rel @p0 .LBB2_9-.Ltmp4, $4  }
0xda: {  	s3 =	simm.s32 $0x1  }
0xdb: {  	_ =	swait.ge [sflag:s3], $0x40  }
0xdc: {  	[sflag:s3] =	ssyncset.done $0x0  }
0xdd: {  	[sflag:s3] =	ssyncadd.s32 $0xFFFFFFC0  }
0xde: {  	v0 =	vld [tilespmem:$0x1280]  }
0xdf: {  	v1 =	vld [tilespmem:$0x80]  }
0xe0: {  	v2 =	vld [tilespmem:$0x1290]  }
0xe1: {  	v3 =	vld [tilespmem:$0x90]  }
0xe2: {  	v4 =	vld [tilespmem:$0x12A0]  }
0xe3: {  	v5 =	vld [tilespmem:$0xA0]  }
0xe4: {  	v6 =	vld [tilespmem:$0x12B0]  }
0xe5: {  	v7 =	vld [tilespmem:$0xB0]  }
0xe6: {  	v8 =	vld [tilespmem:$0x12C0]  }
0xe7: {  	v9 =	vld [tilespmem:$0xC0]  }
0xe8: {  	v10 =	vld [tilespmem:$0x12D0]  }
0xe9: {  	v11 =	vld [tilespmem:$0xD0]  }
0xea: {  	v12 =	vld [tilespmem:$0x12E0]  }
0xeb: {  	v13 =	vld [tilespmem:$0xE0]  }
0xec: {  	v14 =	vld [tilespmem:$0x12F0]  }
0xed: {  	v15 =	vld [tilespmem:$0xF0]  }
0xee: {  	v16 =	vld [tilespmem:$0x1300]  }
0xef: {  	v17 =	vld [tilespmem:$0x100]  }
0xf0: {  	v18 =	vld [tilespmem:$0x1310]  }
0xf1: {  	v19 =	vld [tilespmem:$0x110]  }
0xf2: {  	v20 =	vld [tilespmem:$0x1320]  }
0xf3: {  	v38 =	vld [tilespmem:$0x120];
	v0 =	vadd.s32 v0, v1  }
0xf4: {  	v40 =	vld [tilespmem:$0x1330];
	v39 =	vadd.s32 v2, v3;
	[tilespmem:$0x1280] =	vst v0  }
0xf5: {  	v42 =	vld [tilespmem:$0x130];
	v41 =	vadd.s32 v4, v5;
	[tilespmem:$0x1290] =	vst v39  }
0xf6: {  	v44 =	vld [tilespmem:$0x1340];
	v43 =	vadd.s32 v6, v7;
	[tilespmem:$0x12A0] =	vst v41  }
0xf7: {  	v46 =	vld [tilespmem:$0x140];
	v45 =	vadd.s32 v8, v9;
	[tilespmem:$0x12B0] =	vst v43  }
0xf8: {  	v48 =	vld [tilespmem:$0x1350];
	v47 =	vadd.s32 v10, v11;
	[tilespmem:$0x12C0] =	vst v45  }
0xf9: {  	v50 =	vld [tilespmem:$0x150];
	v49 =	vadd.s32 v12, v13;
	[tilespmem:$0x12D0] =	vst v47  }
0xfa: {  	v52 =	vld [tilespmem:$0x1360];
	v51 =	vadd.s32 v14, v15;
	[tilespmem:$0x12E0] =	vst v49  }
0xfb: {  	v54 =	vld [tilespmem:$0x160];
	v53 =	vadd.s32 v16, v17;
	[tilespmem:$0x12F0] =	vst v51  }
0xfc: {  	v56 =	vld [tilespmem:$0x1370];
	v55 =	vadd.s32 v18, v19;
	[tilespmem:$0x1300] =	vst v53  }
0xfd: {  	v58 =	vld [tilespmem:$0x170];
	v57 =	vadd.s32 v20, v38;
	[tilespmem:$0x1310] =	vst v55  }
0xfe: {  	v59 =	vadd.s32 v40, v42;
	[tilespmem:$0x1320] =	vst v57  }
0xff: {  	v60 =	vadd.s32 v44, v46;
	[tilespmem:$0x1330] =	vst v59  }
0x100: {  	v61 =	vadd.s32 v48, v50;
	[tilespmem:$0x1340] =	vst v60  }
0x101: {  	v62 =	vadd.s32 v52, v54;
	[tilespmem:$0x1350] =	vst v61  }
0x102: {  	v63 =	vadd.s32 v56, v58;
	[tilespmem:$0x1360] =	vst v62  }
0x103: {  	s5 =	simm.s32 $0x1280;
	[tilespmem:$0x1370] =	vst v63  }
0x104: {  	[hbm4b:s2+s4] =	stream.linear.scatter [tilespmem:s5], [sflag:$0x1], $0x100, $0x38;
	[tilespmem:$0x1400] =	vst v63  }
0x105: {  	_ =	swait.ge [sflag:s3], $0x100  }
0x106: {  	[sflag:s3] =	ssyncset.done $0x0  }
0x107: {  	[sflag:s3] =	ssyncadd.s32 $0xFFFFFF00  }
.LBB2_9:
0x108: {  	_ =	sfence.sel $0x180000  }
0x109: {  	[bflag:$0x0] =	sbarrier.arrive $0xFFFF  }
0x10a: {  	p0 =	sne.s32 s1, $0x0;
	_ =	strace $0x90000047  }
0x10b: {  	s0 =	sadd.s32 @!p0 $0x100000, s0;
	[bflag:$0x2] =	sbarrier.arrive $0xFFFF  }
0x10c: {  	[sflag:s0] =	ssyncadd.tile.s32 @!p0 $0x1;
	_ =	shalt  }
.Lfunc_end2:
_tile_overlayer_lowered:
.L_overlay_start_2:
0x10d: {  	(tag) =	ssettag $0x2  }
0x10e: {  	s0 =	rddreg [dreg:$0x0];
	s2 =	stileid.u32  }
0x10f: {  	s1 =	rddreg [dreg:$0x1];
	p0 =	sne.s32 s2, $0x0  }
0x110: {  	s3 =	rddreg [dreg:$0x2];
	[bflag:$0x3] =	sbarrier.arrive $0xFFFF;
	s2 =	simm.s32 @!p0 $0x1C01  }
0x111: {  	[timem:s3], [sflag:s2] =	dma.local @!p0 [hbm:s0], s1  }
0x112: {  	s0 =	simm.s32 @!p0 $0x1  }
0x113: {  	_ =	swait.ge @!p0 [sflag:s0], s1  }
0x114: {  	s1 =	ssub.s32 @!p0 $0x0, s1;
	[sflag:s0] =	ssyncset.done @!p0 $0x0  }
0x115: {  	[sflag:s0] =	ssyncadd.s32 @!p0 s1  }
0x116: {  	[bflag:$0x3] =	sbarrier.arrive $0xFFFF  }
0x117: {  	_ =	shalt  }

</sc_bundles>
